<compile_context>
chip_gen: v7x
topology: tpu7x:2x2x1
jax: 0.10.2.dev20260603
libtpu: 0.0.44.dev20260713+nightly
codegen_flags: <defaults>
</compile_context>

<pallas_src>
import functools

import jax
import jax.numpy as jnp
from jax import lax
from jax.experimental import pallas as pl
from jax.experimental.pallas import tpu as pltpu
from jax.experimental.pallas import tpu_sc as plsc

NUM_CORES = 2
NUM_SUBCORES = 16
LANES = 16
CHUNK = 128


def _forest_gather(vectors, labels_i32, row_idx, feat_idx):
    T, S = row_idx.shape
    N, D = vectors.shape
    F = feat_idx.shape[1]
    NW = NUM_CORES * NUM_SUBCORES
    assert F == LANES, "feature subset must match SC lane count"
    assert (T * S) % NW == 0
    per_w = (T * S) // NW
    assert NW % T == 0 and S % per_w == 0
    w_per_tree = NW // T
    assert per_w % CHUNK == 0
    nch = per_w // CHUNK

    mesh = plsc.VectorSubcoreMesh(
        core_axis_name="c", subcore_axis_name="s",
        num_cores=NUM_CORES, num_subcores=NUM_SUBCORES)

    @functools.partial(
        pl.kernel,
        out_type=[
            jax.ShapeDtypeStruct((T, S, F), jnp.float32),
            jax.ShapeDtypeStruct((T, S), jnp.int32),
        ],
        mesh=mesh,
        compiler_params=pltpu.CompilerParams(
            needs_layout_passes=False,
            disable_bounds_checks=True,
            disable_semaphore_checks=True,
        ),
        scratch_types=[
            pltpu.VMEM((per_w,), jnp.int32),
            pltpu.VMEM((F,), jnp.int32),
            pltpu.VMEM((2, CHUNK, 256), jnp.float32),
            pltpu.VMEM((4, CHUNK), jnp.int32),
            pltpu.VMEM((2, CHUNK, 16), jnp.float32),
            pltpu.SemaphoreType.DMA((2,)),
            pltpu.SemaphoreType.DMA((4,)),
            pltpu.SemaphoreType.DMA((2,)),
            pltpu.SemaphoreType.DMA((4,)),
        ],
    )
    def run(vec_hbm, lab_hbm, ri_hbm, fi_hbm, out_hbm, olab_hbm,
            idx_v, feat_v, rbuf, lbuf, obuf, sem_r, sem_l, sem_so, sem_sl):
        wid = lax.axis_index("s") * NUM_CORES + lax.axis_index("c")
        t = wid // w_per_tree
        base = (wid % w_per_tree) * per_w

        pltpu.sync_copy(ri_hbm.at[t, pl.ds(base, per_w)], idx_v)
        pltpu.sync_copy(fi_hbm.at[t], feat_v)
        feat = feat_v[:]

        def start_gathers(c):
            p2, p4 = c % 2, c % 4
            idxs = idx_v.at[pl.ds(c * CHUNK, CHUNK)]
            pltpu.async_copy(vec_hbm.at[idxs], rbuf.at[p2], sem_r.at[p2])
            pltpu.async_copy(lab_hbm.at[idxs], lbuf.at[p4], sem_l.at[p4])

        def wait_feat_store(c):
            p2 = c % 2
            pltpu.make_async_copy(
                vec_hbm.at[pl.ds(0, (CHUNK * F) // 256), :],
                rbuf.at[p2, pl.ds(0, (CHUNK * F) // 256), :],
                sem_so.at[p2]).wait()

        def wait_label_store(c):
            p4 = c % 4
            pltpu.make_async_copy(
                lbuf.at[p4], olab_hbm.at[t, pl.ds(base + c * CHUNK, CHUNK)],
                sem_sl.at[p4]).wait()

        start_gathers(0)

        def chunk_body(c, carry):
            p2, p4 = c % 2, c % 4

            @pl.when(c >= 3)
            def _():
                wait_label_store(c - 3)

            @pl.when(c + 1 < nch)
            def _():
                start_gathers(c + 1)

            idxs = idx_v.at[pl.ds(c * CHUNK, CHUNK)]
            pltpu.make_async_copy(vec_hbm.at[idxs], rbuf.at[p2], sem_r.at[p2]).wait()
            pltpu.make_async_copy(lab_hbm.at[idxs], lbuf.at[p4], sem_l.at[p4]).wait()

            @pl.when(c >= 2)
            def _():
                wait_feat_store(c - 2)

            p16 = jnp.full((LANES,), p2, jnp.int32)

            def sub(r, carry2):
                r16 = jnp.full((LANES,), r, jnp.int32)
                obuf[p2, r, :] = plsc.load_gather(rbuf, [p16, r16, feat])
                pltpu.async_copy(
                    obuf.at[p2, r, :], out_hbm.at[t, base + c * CHUNK + r, :],
                    sem_so.at[p2])
                return carry2

            lax.fori_loop(0, CHUNK, sub, None)
            pltpu.async_copy(
                lbuf.at[p4], olab_hbm.at[t, pl.ds(base + c * CHUNK, CHUNK)],
                sem_sl.at[p4])
            return carry

        lax.fori_loop(0, nch, chunk_body, None)
        wait_feat_store(nch - 2)
        wait_feat_store(nch - 1)
        wait_label_store(nch - 3)
        wait_label_store(nch - 2)
        wait_label_store(nch - 1)

    return run(vectors, labels_i32, row_idx, feat_idx)


def kernel(vectors, labels, row_indices, feat_indices):
    featured, lab = _forest_gather(
        vectors,
        labels.astype(jnp.int32),
        row_indices.astype(jnp.int32),
        feat_indices.astype(jnp.int32),
    )
    return featured, lab.astype(labels.dtype)

# --- scband reference (transcript-rebuilt; emitter-appended) ---
"""Pipeline reference for scband-torch-random-forest-classifier-60979945668783 (READ-ONLY COPY).

The authoritative reference and input builder live on the scoring server;
editing this copy changes nothing except your own understanding.
"""

import jax, jax.numpy as jnp
import numpy as np

N_ROWS = 100000
D_FEAT = 256
NB_TREES = 16
NB_SAMPLES = 8192
NB_FEATS = 16  # int(sqrt(D_FEAT))


def setup_inputs(seed: int = 0) -> dict:
    key = jax.random.key(seed)
    k1, k2, k3, k4 = jax.random.split(key, 4)
    vectors = jax.random.normal(k1, (N_ROWS, D_FEAT), dtype=jnp.float32)
    labels = jax.random.randint(k2, (N_ROWS,), 0, 10, dtype=jnp.int64)
    # Bootstrap row samples for each tree (sample_vectors) and the random
    # feature subset for each tree (sample_dimensions). The torch original
    # uses python random.sample (without replacement); randint (with
    # replacement) is a faithful bootstrap stand-in with identical gather
    # structure and cost.
    row_indices = jax.random.randint(k3, (NB_TREES, NB_SAMPLES), 0, N_ROWS, dtype=jnp.int64)
    feat_indices = jax.random.randint(k4, (NB_TREES, NB_FEATS), 0, D_FEAT, dtype=jnp.int64)
    return {
        "vectors": vectors,
        "labels": labels,
        "row_indices": row_indices,
        "feat_indices": feat_indices,
    }


def reference(vectors, labels, row_indices, feat_indices):
    # fit(): for each tree, sample_vectors -> index_select rows,
    # then sample_dimensions -> index_select columns.
    # Vectorized across the NB_TREES trees.
    sampled_vectors = jnp.take(vectors, row_indices, axis=0)          # [T, S, d]
    sampled_labels = jnp.take(labels, row_indices, axis=0)            # [T, S]
    # torch.index_select(sampled_vectors, 1, list_features) per tree
    sampled_featured = jnp.take_along_axis(
        sampled_vectors, feat_indices[:, None, :], axis=2
    )                                                                  # [T, S, F]
    return sampled_featured, sampled_labels

if __name__ == "__main__":
    import jax
    _d = setup_inputs()
    print(jax.jit(kernel)(*tuple(_d.values())))

</pallas_src>

<mosaic_0001>
#map = affine_map<(d0, d1) -> (0, 0)>
#map1 = affine_map<(d0, d1) -> (0)>
#map2 = affine_map<(d0, d1) -> (0, 0, 0)>
module attributes {stable_mosaic.version = 14 : i64} {
  func.func @run(%arg0: i32, %arg1: i32, %arg2: memref<100000x256xf32, #tpu.memory_space<hbm>>, %arg3: memref<100000xi32, #tpu.memory_space<hbm>>, %arg4: memref<16x8192xi32, #tpu.memory_space<hbm>>, %arg5: memref<16x16xi32, #tpu.memory_space<hbm>>, %arg6: memref<16x8192x16xf32, #tpu.memory_space<hbm>>, %arg7: memref<16x8192xi32, #tpu.memory_space<hbm>>, %arg8: memref<4096xi32, #tpu.memory_space<vmem>>, %arg9: memref<16xi32, #tpu.memory_space<vmem>>, %arg10: memref<2x128x256xf32, #tpu.memory_space<vmem>>, %arg11: memref<4x128xi32, #tpu.memory_space<vmem>>, %arg12: memref<2x128x16xf32, #tpu.memory_space<vmem>>, %arg13: memref<2x!tpu.dma_semaphore, #tpu.memory_space<semaphore_mem>>, %arg14: memref<4x!tpu.dma_semaphore, #tpu.memory_space<semaphore_mem>>, %arg15: memref<2x!tpu.dma_semaphore, #tpu.memory_space<semaphore_mem>>, %arg16: memref<4x!tpu.dma_semaphore, #tpu.memory_space<semaphore_mem>>) attributes {dimension_semantics = [#tpu.dimension_semantics<core_parallel>, #tpu.dimension_semantics<subcore_parallel>], iteration_bounds = array<i64: 2, 16>, scalar_prefetch = 0 : i64, scratch_operands = 9 : i64, tpu.core_type = #tpu.core_type<sc_vector_subcore>, window_params = [{transform_indices = #map}, {transform_indices = #map1}, {transform_indices = #map}, {transform_indices = #map}, {transform_indices = #map2}, {transform_indices = #map}]} {
    %mul3A = arith.constant 2 : i32
    %mul3A_0 = arith.muli %arg1, %mul3A : i32
    %add3A = arith.addi %mul3A_0, %arg0 : i32
    %jit3A = arith.constant 2 : i32
    %div3A = arith.divsi %add3A, %jit3A : i32
    %sign3A = arith.constant 0 : i32
    %sign3A_1 = arith.cmpi sgt, %add3A, %sign3A : i32
    %sign3A_2 = arith.extui %sign3A_1 : i1 to i32
    %sign3A_3 = arith.constant 0 : i32
    %sign3A_4 = arith.cmpi slt, %add3A, %sign3A_3 : i32
    %sign3A_5 = arith.extui %sign3A_4 : i1 to i32
    %sign3A_6 = arith.subi %sign3A_2, %sign3A_5 : i32
    %sign3A_7 = arith.constant 0 : i32
    %sign3A_8 = arith.cmpi sgt, %jit3A, %sign3A_7 : i32
    %sign3A_9 = arith.extui %sign3A_8 : i1 to i32
    %sign3A_10 = arith.constant 0 : i32
    %sign3A_11 = arith.cmpi slt, %jit3A, %sign3A_10 : i32
    %sign3A_12 = arith.extui %sign3A_11 : i1 to i32
    %sign3A_13 = arith.subi %sign3A_9, %sign3A_12 : i32
    %ne3A = arith.cmpi ne, %sign3A_6, %sign3A_13 : i32
    %rem3A = arith.remsi %add3A, %jit3A : i32
    %ne3A_14 = arith.constant 0 : i32
    %ne3A_15 = arith.cmpi ne, %rem3A, %ne3A_14 : i32
    %and3A = arith.andi %ne3A, %ne3A_15 : i1
    %sub3A = arith.constant 1 : i32
    %sub3A_16 = arith.subi %div3A, %sub3A : i32
    %select_n3A = arith.select %and3A, %sub3A_16, %div3A : i32
    %jit3A_17 = arith.constant 2 : i32
    %eq3A = arith.constant 0 : i32
    %eq3A_18 = arith.cmpi eq, %jit3A_17, %eq3A : i32
    %jit3A_19 = arith.constant 1 : i32
    %select_n3A_20 = arith.select %eq3A_18, %jit3A_19, %jit3A_17 : i32
    %rem3A_21 = arith.remsi %add3A, %select_n3A_20 : i32
    %ne3A_22 = arith.constant 0 : i32
    %ne3A_23 = arith.cmpi ne, %rem3A_21, %ne3A_22 : i32
    %lt3A = arith.constant 0 : i32
    %lt3A_24 = arith.cmpi slt, %rem3A_21, %lt3A : i32
    %lt3A_25 = arith.constant 0 : i32
    %lt3A_26 = arith.cmpi slt, %select_n3A_20, %lt3A_25 : i32
    %ne3A_27 = arith.xori %lt3A_24, %lt3A_26 : i1
    %and3A_28 = arith.andi %ne3A_27, %ne3A_23 : i1
    %add3A_29 = arith.addi %rem3A_21, %select_n3A_20 : i32
    %select_n3A_30 = arith.select %and3A_28, %add3A_29, %rem3A_21 : i32
    %mul3A_31 = arith.constant 4096 : i32
    %mul3A_32 = arith.muli %select_n3A_30, %mul3A_31 : i32
    "tpu.region"() ({
      %run_scoped3A = tpu.sem_alloc : memref<!tpu.dma_semaphore, #tpu.memory_space<semaphore_mem>>
      %dma_start3A_144 = tpu.memref_slice %arg4[%select_n3A, %mul3A_32] : memref<16x8192xi32, #tpu.memory_space<hbm>> -> memref<1x4096xi32, #tpu.memory_space<hbm>>
      %dma_start3A_145 = tpu.memref_squeeze %dma_start3A_144 : memref<1x4096xi32, #tpu.memory_space<hbm>> -> memref<4096xi32, #tpu.memory_space<hbm>>
      %dma_start3A_146 = tpu.memref_slice %arg4[%select_n3A, %mul3A_32] : memref<16x8192xi32, #tpu.memory_space<hbm>> -> memref<1x4096xi32, #tpu.memory_space<hbm>>
      %dma_start3A_147 = tpu.memref_squeeze %dma_start3A_146 : memref<1x4096xi32, #tpu.memory_space<hbm>> -> memref<4096xi32, #tpu.memory_space<hbm>>
      tpu.enqueue_dma source(%dma_start3A_147 : memref<4096xi32, #tpu.memory_space<hbm>>) target(%arg8 : memref<4096xi32, #tpu.memory_space<vmem>>) target_semaphore(%run_scoped3A : memref<!tpu.dma_semaphore, #tpu.memory_space<semaphore_mem>>)
      %dma_wait3A_148 = tpu.memref_slice %arg4[%select_n3A, %mul3A_32] : memref<16x8192xi32, #tpu.memory_space<hbm>> -> memref<1x4096xi32, #tpu.memory_space<hbm>>
      %dma_wait3A_149 = tpu.memref_squeeze %dma_wait3A_148 : memref<1x4096xi32, #tpu.memory_space<hbm>> -> memref<4096xi32, #tpu.memory_space<hbm>>
      %dma_wait3A_150 = tpu.memref_slice %arg4[%select_n3A, %mul3A_32] : memref<16x8192xi32, #tpu.memory_space<hbm>> -> memref<1x4096xi32, #tpu.memory_space<hbm>>
      %dma_wait3A_151 = tpu.memref_squeeze %dma_wait3A_150 : memref<1x4096xi32, #tpu.memory_space<hbm>> -> memref<4096xi32, #tpu.memory_space<hbm>>
      tpu.wait_dma2 semaphore(%run_scoped3A : memref<!tpu.dma_semaphore, #tpu.memory_space<semaphore_mem>>) src(%dma_wait3A_151 : memref<4096xi32, #tpu.memory_space<hbm>>) dst(%arg8 : memref<4096xi32, #tpu.memory_space<vmem>>)
      tpu.yield
    }) : () -> ()
    "tpu.region"() ({
      %run_scoped3A = tpu.sem_alloc : memref<!tpu.dma_semaphore, #tpu.memory_space<semaphore_mem>>
      %dma_start3A_144 = arith.constant 0 : i32
      %dma_start3A_145 = tpu.memref_slice %arg5[%select_n3A, %dma_start3A_144] : memref<16x16xi32, #tpu.memory_space<hbm>> -> memref<1x16xi32, #tpu.memory_space<hbm>>
      %dma_start3A_146 = tpu.memref_squeeze %dma_start3A_145 : memref<1x16xi32, #tpu.memory_space<hbm>> -> memref<16xi32, #tpu.memory_space<hbm>>
      %dma_start3A_147 = arith.constant 0 : i32
      %dma_start3A_148 = tpu.memref_slice %arg5[%select_n3A, %dma_start3A_147] : memref<16x16xi32, #tpu.memory_space<hbm>> -> memref<1x16xi32, #tpu.memory_space<hbm>>
      %dma_start3A_149 = tpu.memref_squeeze %dma_start3A_148 : memref<1x16xi32, #tpu.memory_space<hbm>> -> memref<16xi32, #tpu.memory_space<hbm>>
      tpu.enqueue_dma source(%dma_start3A_149 : memref<16xi32, #tpu.memory_space<hbm>>) target(%arg9 : memref<16xi32, #tpu.memory_space<vmem>>) target_semaphore(%run_scoped3A : memref<!tpu.dma_semaphore, #tpu.memory_space<semaphore_mem>>)
      %dma_wait3A_150 = arith.constant 0 : i32
      %dma_wait3A_151 = tpu.memref_slice %arg5[%select_n3A, %dma_wait3A_150] : memref<16x16xi32, #tpu.memory_space<hbm>> -> memref<1x16xi32, #tpu.memory_space<hbm>>
      %dma_wait3A_152 = tpu.memref_squeeze %dma_wait3A_151 : memref<1x16xi32, #tpu.memory_space<hbm>> -> memref<16xi32, #tpu.memory_space<hbm>>
      %dma_wait3A_153 = arith.constant 0 : i32
      %dma_wait3A_154 = tpu.memref_slice %arg5[%select_n3A, %dma_wait3A_153] : memref<16x16xi32, #tpu.memory_space<hbm>> -> memref<1x16xi32, #tpu.memory_space<hbm>>
      %dma_wait3A_155 = tpu.memref_squeeze %dma_wait3A_154 : memref<1x16xi32, #tpu.memory_space<hbm>> -> memref<16xi32, #tpu.memory_space<hbm>>
      tpu.wait_dma2 semaphore(%run_scoped3A : memref<!tpu.dma_semaphore, #tpu.memory_space<semaphore_mem>>) src(%dma_wait3A_155 : memref<16xi32, #tpu.memory_space<hbm>>) dst(%arg9 : memref<16xi32, #tpu.memory_space<vmem>>)
      tpu.yield
    }) : () -> ()
    %get3A = arith.constant 0 : index
    %get3A_33 = tpu.vector_load %arg9[%get3A] {strides = array<i32>} : memref<16xi32, #tpu.memory_space<vmem>>, vector<16xi32>,
    %dma_start3A = arith.constant 0 : i32
    %dma_start3A_34 = arith.constant 0 : i32
    %dma_start3A_35 = arith.constant 0 : i32
    %dma_start3A_36 = arith.constant 0 : i32
    %dma_start3A_37 = tpu.memref_slice %arg10[%dma_start3A, %dma_start3A_35, %dma_start3A_36] : memref<2x128x256xf32, #tpu.memory_space<vmem>> -> memref<1x128x256xf32, #tpu.memory_space<vmem>>
    %dma_start3A_38 = tpu.memref_squeeze %dma_start3A_37 : memref<1x128x256xf32, #tpu.memory_space<vmem>> -> memref<128x256xf32, #tpu.memory_space<vmem>>
    %dma_start3A_39 = arith.constant 0 : i32
    %dma_start3A_40 = tpu.memref_slice %arg8[%dma_start3A_39] : memref<4096xi32, #tpu.memory_space<vmem>> -> memref<128xi32, #tpu.memory_space<vmem>>
    %dma_start3A_41 = arith.constant 0 : i32
    %dma_start3A_42 = arith.constant 0 : i32
    %dma_start3A_43 = tpu.memref_slice %arg2[%dma_start3A_41, %dma_start3A_42] : memref<100000x256xf32, #tpu.memory_space<hbm>> -> memref<100000x256xf32, #tpu.memory_space<hbm>>
    %dma_start3A_44 = tpu.memref_slice %arg13[%dma_start3A_34] : memref<2x!tpu.dma_semaphore, #tpu.memory_space<semaphore_mem>> -> memref<1x!tpu.dma_semaphore, #tpu.memory_space<semaphore_mem>>
    %dma_start3A_45 = tpu.memref_squeeze %dma_start3A_44 : memref<1x!tpu.dma_semaphore, #tpu.memory_space<semaphore_mem>> -> memref<!tpu.dma_semaphore, #tpu.memory_space<semaphore_mem>>
    tpu.enqueue_indirect_dma source(%dma_start3A_43 : memref<100000x256xf32, #tpu.memory_space<hbm>>) target(%dma_start3A_38 : memref<128x256xf32, #tpu.memory_space<vmem>>) offsets(%dma_start3A_40 : memref<128xi32, #tpu.memory_space<vmem>>) semaphore(%dma_start3A_45 : memref<!tpu.dma_semaphore, #tpu.memory_space<semaphore_mem>>)
    %dma_start3A_46 = arith.constant 0 : i32
    %dma_start3A_47 = arith.constant 0 : i32
    %dma_start3A_48 = arith.constant 0 : i32
    %dma_start3A_49 = tpu.memref_slice %arg11[%dma_start3A_46, %dma_start3A_48] : memref<4x128xi32, #tpu.memory_space<vmem>> -> memref<1x128xi32, #tpu.memory_space<vmem>>
    %dma_start3A_50 = tpu.memref_squeeze %dma_start3A_49 : memref<1x128xi32, #tpu.memory_space<vmem>> -> memref<128xi32, #tpu.memory_space<vmem>>
    %dma_start3A_51 = arith.constant 0 : i32
    %dma_start3A_52 = tpu.memref_slice %arg8[%dma_start3A_51] : memref<4096xi32, #tpu.memory_space<vmem>> -> memref<128xi32, #tpu.memory_space<vmem>>
    %dma_start3A_53 = arith.constant 0 : i32
    %dma_start3A_54 = tpu.memref_slice %arg3[%dma_start3A_53] : memref<100000xi32, #tpu.memory_space<hbm>> -> memref<100000xi32, #tpu.memory_space<hbm>>
    %dma_start3A_55 = tpu.memref_slice %arg14[%dma_start3A_47] : memref<4x!tpu.dma_semaphore, #tpu.memory_space<semaphore_mem>> -> memref<1x!tpu.dma_semaphore, #tpu.memory_space<semaphore_mem>>
    %dma_start3A_56 = tpu.memref_squeeze %dma_start3A_55 : memref<1x!tpu.dma_semaphore, #tpu.memory_space<semaphore_mem>> -> memref<!tpu.dma_semaphore, #tpu.memory_space<semaphore_mem>>
    tpu.enqueue_indirect_dma source(%dma_start3A_54 : memref<100000xi32, #tpu.memory_space<hbm>>) target(%dma_start3A_50 : memref<128xi32, #tpu.memory_space<vmem>>) offsets(%dma_start3A_52 : memref<128xi32, #tpu.memory_space<vmem>>) semaphore(%dma_start3A_56 : memref<!tpu.dma_semaphore, #tpu.memory_space<semaphore_mem>>)
    %scan3A = arith.constant 0 : i32
    %scan3A_57 = arith.constant 32 : i32
    %scan3A_58 = arith.addi %scan3A, %scan3A_57 : i32
    %scan3A_59 = arith.constant 1 : i32
    scf.for %scan3A_144 = %scan3A to %scan3A_58 step %scan3A_59  : i32 {
      %jit3A_145 = arith.constant 2 : i32
      %eq3A_146 = arith.constant 0 : i32
      %eq3A_147 = arith.cmpi eq, %jit3A_145, %eq3A_146 : i32
      %jit3A_148 = arith.constant 1 : i32
      %select_n3A_149 = arith.select %eq3A_147, %jit3A_148, %jit3A_145 : i32
      %rem3A_150 = arith.remsi %scan3A_144, %select_n3A_149 : i32
      %ne3A_151 = arith.constant 0 : i32
      %ne3A_152 = arith.cmpi ne, %rem3A_150, %ne3A_151 : i32
      %lt3A_153 = arith.constant 0 : i32
      %lt3A_154 = arith.cmpi slt, %rem3A_150, %lt3A_153 : i32
      %lt3A_155 = arith.constant 0 : i32
      %lt3A_156 = arith.cmpi slt, %select_n3A_149, %lt3A_155 : i32
      %ne3A_157 = arith.xori %lt3A_154, %lt3A_156 : i1
      %and3A_158 = arith.andi %ne3A_157, %ne3A_152 : i1
      %add3A_159 = arith.addi %rem3A_150, %select_n3A_149 : i32
      %select_n3A_160 = arith.select %and3A_158, %add3A_159, %rem3A_150 : i32
      %jit3A_161 = arith.constant 4 : i32
      %eq3A_162 = arith.constant 0 : i32
      %eq3A_163 = arith.cmpi eq, %jit3A_161, %eq3A_162 : i32
      %jit3A_164 = arith.constant 1 : i32
      %select_n3A_165 = arith.select %eq3A_163, %jit3A_164, %jit3A_161 : i32
      %rem3A_166 = arith.remsi %scan3A_144, %select_n3A_165 : i32
      %ne3A_167 = arith.constant 0 : i32
      %ne3A_168 = arith.cmpi ne, %rem3A_166, %ne3A_167 : i32
      %lt3A_169 = arith.constant 0 : i32
      %lt3A_170 = arith.cmpi slt, %rem3A_166, %lt3A_169 : i32
      %lt3A_171 = arith.constant 0 : i32
      %lt3A_172 = arith.cmpi slt, %select_n3A_165, %lt3A_171 : i32
      %ne3A_173 = arith.xori %lt3A_170, %lt3A_172 : i1
      %and3A_174 = arith.andi %ne3A_173, %ne3A_168 : i1
      %add3A_175 = arith.addi %rem3A_166, %select_n3A_165 : i32
      %select_n3A_176 = arith.select %and3A_174, %add3A_175, %rem3A_166 : i32
      %ge3A = arith.constant 3 : i32
      %ge3A_177 = arith.cmpi sge, %scan3A_144, %ge3A : i32
      %convert_element_type3A = arith.extui %ge3A_177 : i1 to i32
      %cond3A = arith.constant 0 : i32
      %cond3A_178 = arith.cmpi ne, %convert_element_type3A, %cond3A : i32
      scf.if %cond3A_178 {
        %sub3A_231 = arith.constant 3 : i32
        %sub3A_232 = arith.subi %scan3A_144, %sub3A_231 : i32
        %jit3A_233 = arith.constant 4 : i32
        %eq3A_234 = arith.constant 0 : i32
        %eq3A_235 = arith.cmpi eq, %jit3A_233, %eq3A_234 : i32
        %jit3A_236 = arith.constant 1 : i32
        %select_n3A_237 = arith.select %eq3A_235, %jit3A_236, %jit3A_233 : i32
        %rem3A_238 = arith.remsi %sub3A_232, %select_n3A_237 : i32
        %ne3A_239 = arith.constant 0 : i32
        %ne3A_240 = arith.cmpi ne, %rem3A_238, %ne3A_239 : i32
        %lt3A_241 = arith.constant 0 : i32
        %lt3A_242 = arith.cmpi slt, %rem3A_238, %lt3A_241 : i32
        %lt3A_243 = arith.constant 0 : i32
        %lt3A_244 = arith.cmpi slt, %select_n3A_237, %lt3A_243 : i32
        %ne3A_245 = arith.xori %lt3A_242, %lt3A_244 : i1
        %and3A_246 = arith.andi %ne3A_245, %ne3A_240 : i1
        %add3A_247 = arith.addi %rem3A_238, %select_n3A_237 : i32
        %select_n3A_248 = arith.select %and3A_246, %add3A_247, %rem3A_238 : i32
        %mul3A_249 = arith.constant 128 : i32
        %mul3A_250 = arith.muli %sub3A_232, %mul3A_249 : i32
        %add3A_251 = arith.addi %mul3A_32, %mul3A_250 : i32
        %dma_wait3A_252 = arith.constant 0 : i32
        %dma_wait3A_253 = tpu.memref_slice %arg11[%select_n3A_248, %dma_wait3A_252] : memref<4x128xi32, #tpu.memory_space<vmem>> -> memref<1x128xi32, #tpu.memory_space<vmem>>
        %dma_wait3A_254 = tpu.memref_squeeze %dma_wait3A_253 : memref<1x128xi32, #tpu.memory_space<vmem>> -> memref<128xi32, #tpu.memory_space<vmem>>
        %dma_wait3A_255 = tpu.memref_slice %arg7[%select_n3A, %add3A_251] : memref<16x8192xi32, #tpu.memory_space<hbm>> -> memref<1x128xi32, #tpu.memory_space<hbm>>
        %dma_wait3A_256 = tpu.memref_squeeze %dma_wait3A_255 : memref<1x128xi32, #tpu.memory_space<hbm>> -> memref<128xi32, #tpu.memory_space<hbm>>
        %dma_wait3A_257 = tpu.memref_slice %arg16[%select_n3A_248] : memref<4x!tpu.dma_semaphore, #tpu.memory_space<semaphore_mem>> -> memref<1x!tpu.dma_semaphore, #tpu.memory_space<semaphore_mem>>
        %dma_wait3A_258 = tpu.memref_squeeze %dma_wait3A_257 : memref<1x!tpu.dma_semaphore, #tpu.memory_space<semaphore_mem>> -> memref<!tpu.dma_semaphore, #tpu.memory_space<semaphore_mem>>
        %dma_wait3A_259 = tpu.memref_slice %arg7[%select_n3A, %add3A_251] : memref<16x8192xi32, #tpu.memory_space<hbm>> -> memref<1x128xi32, #tpu.memory_space<hbm>>
        %dma_wait3A_260 = tpu.memref_squeeze %dma_wait3A_259 : memref<1x128xi32, #tpu.memory_space<hbm>> -> memref<128xi32, #tpu.memory_space<hbm>>
        %dma_wait3A_261 = arith.constant 0 : i32
        %dma_wait3A_262 = tpu.memref_slice %arg11[%select_n3A_248, %dma_wait3A_261] : memref<4x128xi32, #tpu.memory_space<vmem>> -> memref<1x128xi32, #tpu.memory_space<vmem>>
        %dma_wait3A_263 = tpu.memref_squeeze %dma_wait3A_262 : memref<1x128xi32, #tpu.memory_space<vmem>> -> memref<128xi32, #tpu.memory_space<vmem>>
        tpu.wait_dma2 semaphore(%dma_wait3A_258 : memref<!tpu.dma_semaphore, #tpu.memory_space<semaphore_mem>>) src(%dma_wait3A_263 : memref<128xi32, #tpu.memory_space<vmem>>) dst(%dma_wait3A_260 : memref<128xi32, #tpu.memory_space<hbm>>)
      } else {
      }
      %add3A_179 = arith.constant 1 : i32
      %add3A_180 = arith.addi %scan3A_144, %add3A_179 : i32
      %lt3A_181 = arith.constant 32 : i32
      %lt3A_182 = arith.cmpi slt, %add3A_180, %lt3A_181 : i32
      %convert_element_type3A_183 = arith.extui %lt3A_182 : i1 to i32
      %cond3A_184 = arith.constant 0 : i32
      %cond3A_185 = arith.cmpi ne, %convert_element_type3A_183, %cond3A_184 : i32
      scf.if %cond3A_185 {
        %add3A_231 = arith.constant 1 : i32
        %add3A_232 = arith.addi %scan3A_144, %add3A_231 : i32
        %jit3A_233 = arith.constant 2 : i32
        %eq3A_234 = arith.constant 0 : i32
        %eq3A_235 = arith.cmpi eq, %jit3A_233, %eq3A_234 : i32
        %jit3A_236 = arith.constant 1 : i32
        %select_n3A_237 = arith.select %eq3A_235, %jit3A_236, %jit3A_233 : i32
        %rem3A_238 = arith.remsi %add3A_232, %select_n3A_237 : i32
        %ne3A_239 = arith.constant 0 : i32
        %ne3A_240 = arith.cmpi ne, %rem3A_238, %ne3A_239 : i32
        %lt3A_241 = arith.constant 0 : i32
        %lt3A_242 = arith.cmpi slt, %rem3A_238, %lt3A_241 : i32
        %lt3A_243 = arith.constant 0 : i32
        %lt3A_244 = arith.cmpi slt, %select_n3A_237, %lt3A_243 : i32
        %ne3A_245 = arith.xori %lt3A_242, %lt3A_244 : i1
        %and3A_246 = arith.andi %ne3A_245, %ne3A_240 : i1
        %add3A_247 = arith.addi %rem3A_238, %select_n3A_237 : i32
        %select_n3A_248 = arith.select %and3A_246, %add3A_247, %rem3A_238 : i32
        %jit3A_249 = arith.constant 4 : i32
        %eq3A_250 = arith.constant 0 : i32
        %eq3A_251 = arith.cmpi eq, %jit3A_249, %eq3A_250 : i32
        %jit3A_252 = arith.constant 1 : i32
        %select_n3A_253 = arith.select %eq3A_251, %jit3A_252, %jit3A_249 : i32
        %rem3A_254 = arith.remsi %add3A_232, %select_n3A_253 : i32
        %ne3A_255 = arith.constant 0 : i32
        %ne3A_256 = arith.cmpi ne, %rem3A_254, %ne3A_255 : i32
        %lt3A_257 = arith.constant 0 : i32
        %lt3A_258 = arith.cmpi slt, %rem3A_254, %lt3A_257 : i32
        %lt3A_259 = arith.constant 0 : i32
        %lt3A_260 = arith.cmpi slt, %select_n3A_253, %lt3A_259 : i32
        %ne3A_261 = arith.xori %lt3A_258, %lt3A_260 : i1
        %and3A_262 = arith.andi %ne3A_261, %ne3A_256 : i1
        %add3A_263 = arith.addi %rem3A_254, %select_n3A_253 : i32
        %select_n3A_264 = arith.select %and3A_262, %add3A_263, %rem3A_254 : i32
        %mul3A_265 = arith.constant 128 : i32
        %mul3A_266 = arith.muli %add3A_232, %mul3A_265 : i32
        %dma_start3A_267 = arith.constant 0 : i32
        %dma_start3A_268 = arith.constant 0 : i32
        %dma_start3A_269 = tpu.memref_slice %arg10[%select_n3A_248, %dma_start3A_267, %dma_start3A_268] : memref<2x128x256xf32, #tpu.memory_space<vmem>> -> memref<1x128x256xf32, #tpu.memory_space<vmem>>
        %dma_start3A_270 = tpu.memref_squeeze %dma_start3A_269 : memref<1x128x256xf32, #tpu.memory_space<vmem>> -> memref<128x256xf32, #tpu.memory_space<vmem>>
        %dma_start3A_271 = tpu.memref_slice %arg8[%mul3A_266] : memref<4096xi32, #tpu.memory_space<vmem>> -> memref<128xi32, #tpu.memory_space<vmem>>
        %dma_start3A_272 = arith.constant 0 : i32
        %dma_start3A_273 = arith.constant 0 : i32
        %dma_start3A_274 = tpu.memref_slice %arg2[%dma_start3A_272, %dma_start3A_273] : memref<100000x256xf32, #tpu.memory_space<hbm>> -> memref<100000x256xf32, #tpu.memory_space<hbm>>
        %dma_start3A_275 = tpu.memref_slice %arg13[%select_n3A_248] : memref<2x!tpu.dma_semaphore, #tpu.memory_space<semaphore_mem>> -> memref<1x!tpu.dma_semaphore, #tpu.memory_space<semaphore_mem>>
        %dma_start3A_276 = tpu.memref_squeeze %dma_start3A_275 : memref<1x!tpu.dma_semaphore, #tpu.memory_space<semaphore_mem>> -> memref<!tpu.dma_semaphore, #tpu.memory_space<semaphore_mem>>
        tpu.enqueue_indirect_dma source(%dma_start3A_274 : memref<100000x256xf32, #tpu.memory_space<hbm>>) target(%dma_start3A_270 : memref<128x256xf32, #tpu.memory_space<vmem>>) offsets(%dma_start3A_271 : memref<128xi32, #tpu.memory_space<vmem>>) semaphore(%dma_start3A_276 : memref<!tpu.dma_semaphore, #tpu.memory_space<semaphore_mem>>)
        %dma_start3A_277 = arith.constant 0 : i32
        %dma_start3A_278 = tpu.memref_slice %arg11[%select_n3A_264, %dma_start3A_277] : memref<4x128xi32, #tpu.memory_space<vmem>> -> memref<1x128xi32, #tpu.memory_space<vmem>>
        %dma_start3A_279 = tpu.memref_squeeze %dma_start3A_278 : memref<1x128xi32, #tpu.memory_space<vmem>> -> memref<128xi32, #tpu.memory_space<vmem>>
        %dma_start3A_280 = tpu.memref_slice %arg8[%mul3A_266] : memref<4096xi32, #tpu.memory_space<vmem>> -> memref<128xi32, #tpu.memory_space<vmem>>
        %dma_start3A_281 = arith.constant 0 : i32
        %dma_start3A_282 = tpu.memref_slice %arg3[%dma_start3A_281] : memref<100000xi32, #tpu.memory_space<hbm>> -> memref<100000xi32, #tpu.memory_space<hbm>>
        %dma_start3A_283 = tpu.memref_slice %arg14[%select_n3A_264] : memref<4x!tpu.dma_semaphore, #tpu.memory_space<semaphore_mem>> -> memref<1x!tpu.dma_semaphore, #tpu.memory_space<semaphore_mem>>
        %dma_start3A_284 = tpu.memref_squeeze %dma_start3A_283 : memref<1x!tpu.dma_semaphore, #tpu.memory_space<semaphore_mem>> -> memref<!tpu.dma_semaphore, #tpu.memory_space<semaphore_mem>>
        tpu.enqueue_indirect_dma source(%dma_start3A_282 : memref<100000xi32, #tpu.memory_space<hbm>>) target(%dma_start3A_279 : memref<128xi32, #tpu.memory_space<vmem>>) offsets(%dma_start3A_280 : memref<128xi32, #tpu.memory_space<vmem>>) semaphore(%dma_start3A_284 : memref<!tpu.dma_semaphore, #tpu.memory_space<semaphore_mem>>)
      } else {
      }
      %mul3A_186 = arith.constant 128 : i32
      %mul3A_187 = arith.muli %scan3A_144, %mul3A_186 : i32
      %dma_wait3A_188 = arith.constant 0 : i32
      %dma_wait3A_189 = arith.constant 0 : i32
      %dma_wait3A_190 = tpu.memref_slice %arg10[%select_n3A_160, %dma_wait3A_188, %dma_wait3A_189] : memref<2x128x256xf32, #tpu.memory_space<vmem>> -> memref<1x128x256xf32, #tpu.memory_space<vmem>>
      %dma_wait3A_191 = tpu.memref_squeeze %dma_wait3A_190 : memref<1x128x256xf32, #tpu.memory_space<vmem>> -> memref<128x256xf32, #tpu.memory_space<vmem>>
      %dma_wait3A_192 = tpu.memref_slice %arg8[%mul3A_187] : memref<4096xi32, #tpu.memory_space<vmem>> -> memref<128xi32, #tpu.memory_space<vmem>>
      %dma_wait3A_193 = arith.constant 0 : i32
      %dma_wait3A_194 = arith.constant 0 : i32
      %dma_wait3A_195 = tpu.memref_slice %arg2[%dma_wait3A_193, %dma_wait3A_194] : memref<100000x256xf32, #tpu.memory_space<hbm>> -> memref<100000x256xf32, #tpu.memory_space<hbm>>
      %dma_wait3A_196 = tpu.memref_slice %arg13[%select_n3A_160] : memref<2x!tpu.dma_semaphore, #tpu.memory_space<semaphore_mem>> -> memref<1x!tpu.dma_semaphore, #tpu.memory_space<semaphore_mem>>
      %dma_wait3A_197 = tpu.memref_squeeze %dma_wait3A_196 : memref<1x!tpu.dma_semaphore, #tpu.memory_space<semaphore_mem>> -> memref<!tpu.dma_semaphore, #tpu.memory_space<semaphore_mem>>
      tpu.wait_indirect_dma semaphore(%dma_wait3A_197 : memref<!tpu.dma_semaphore, #tpu.memory_space<semaphore_mem>>) src(%dma_wait3A_195 : memref<100000x256xf32, #tpu.memory_space<hbm>>) dst(%dma_wait3A_191 : memref<128x256xf32, #tpu.memory_space<vmem>>)
      %dma_wait3A_198 = arith.constant 0 : i32
      %dma_wait3A_199 = tpu.memref_slice %arg11[%select_n3A_176, %dma_wait3A_198] : memref<4x128xi32, #tpu.memory_space<vmem>> -> memref<1x128xi32, #tpu.memory_space<vmem>>
      %dma_wait3A_200 = tpu.memref_squeeze %dma_wait3A_199 : memref<1x128xi32, #tpu.memory_space<vmem>> -> memref<128xi32, #tpu.memory_space<vmem>>
      %dma_wait3A_201 = tpu.memref_slice %arg8[%mul3A_187] : memref<4096xi32, #tpu.memory_space<vmem>> -> memref<128xi32, #tpu.memory_space<vmem>>
      %dma_wait3A_202 = arith.constant 0 : i32
      %dma_wait3A_203 = tpu.memref_slice %arg3[%dma_wait3A_202] : memref<100000xi32, #tpu.memory_space<hbm>> -> memref<100000xi32, #tpu.memory_space<hbm>>
      %dma_wait3A_204 = tpu.memref_slice %arg14[%select_n3A_176] : memref<4x!tpu.dma_semaphore, #tpu.memory_space<semaphore_mem>> -> memref<1x!tpu.dma_semaphore, #tpu.memory_space<semaphore_mem>>
      %dma_wait3A_205 = tpu.memref_squeeze %dma_wait3A_204 : memref<1x!tpu.dma_semaphore, #tpu.memory_space<semaphore_mem>> -> memref<!tpu.dma_semaphore, #tpu.memory_space<semaphore_mem>>
      tpu.wait_indirect_dma semaphore(%dma_wait3A_205 : memref<!tpu.dma_semaphore, #tpu.memory_space<semaphore_mem>>) src(%dma_wait3A_203 : memref<100000xi32, #tpu.memory_space<hbm>>) dst(%dma_wait3A_200 : memref<128xi32, #tpu.memory_space<vmem>>)
      %ge3A_206 = arith.constant 2 : i32
      %ge3A_207 = arith.cmpi sge, %scan3A_144, %ge3A_206 : i32
      %convert_element_type3A_208 = arith.extui %ge3A_207 : i1 to i32
      %cond3A_209 = arith.constant 0 : i32
      %cond3A_210 = arith.cmpi ne, %convert_element_type3A_208, %cond3A_209 : i32
      scf.if %cond3A_210 {
        %sub3A_231 = arith.constant 2 : i32
        %sub3A_232 = arith.subi %scan3A_144, %sub3A_231 : i32
        %jit3A_233 = arith.constant 2 : i32
        %eq3A_234 = arith.constant 0 : i32
        %eq3A_235 = arith.cmpi eq, %jit3A_233, %eq3A_234 : i32
        %jit3A_236 = arith.constant 1 : i32
        %select_n3A_237 = arith.select %eq3A_235, %jit3A_236, %jit3A_233 : i32
        %rem3A_238 = arith.remsi %sub3A_232, %select_n3A_237 : i32
        %ne3A_239 = arith.constant 0 : i32
        %ne3A_240 = arith.cmpi ne, %rem3A_238, %ne3A_239 : i32
        %lt3A_241 = arith.constant 0 : i32
        %lt3A_242 = arith.cmpi slt, %rem3A_238, %lt3A_241 : i32
        %lt3A_243 = arith.constant 0 : i32
        %lt3A_244 = arith.cmpi slt, %select_n3A_237, %lt3A_243 : i32
        %ne3A_245 = arith.xori %lt3A_242, %lt3A_244 : i1
        %and3A_246 = arith.andi %ne3A_245, %ne3A_240 : i1
        %add3A_247 = arith.addi %rem3A_238, %select_n3A_237 : i32
        %select_n3A_248 = arith.select %and3A_246, %add3A_247, %rem3A_238 : i32
        %dma_wait3A_249 = arith.constant 0 : i32
        %dma_wait3A_250 = arith.constant 0 : i32
        %dma_wait3A_251 = tpu.memref_slice %arg10[%select_n3A_248, %dma_wait3A_249, %dma_wait3A_250] : memref<2x128x256xf32, #tpu.memory_space<vmem>> -> memref<1x8x256xf32, #tpu.memory_space<vmem>>
        %dma_wait3A_252 = tpu.memref_squeeze %dma_wait3A_251 : memref<1x8x256xf32, #tpu.memory_space<vmem>> -> memref<8x256xf32, #tpu.memory_space<vmem>>
        %dma_wait3A_253 = arith.constant 0 : i32
        %dma_wait3A_254 = arith.constant 0 : i32
        %dma_wait3A_255 = tpu.memref_slice %arg2[%dma_wait3A_253, %dma_wait3A_254] : memref<100000x256xf32, #tpu.memory_space<hbm>> -> memref<8x256xf32, #tpu.memory_space<hbm>>
        %dma_wait3A_256 = tpu.memref_slice %arg15[%select_n3A_248] : memref<2x!tpu.dma_semaphore, #tpu.memory_space<semaphore_mem>> -> memref<1x!tpu.dma_semaphore, #tpu.memory_space<semaphore_mem>>
        %dma_wait3A_257 = tpu.memref_squeeze %dma_wait3A_256 : memref<1x!tpu.dma_semaphore, #tpu.memory_space<semaphore_mem>> -> memref<!tpu.dma_semaphore, #tpu.memory_space<semaphore_mem>>
        %dma_wait3A_258 = arith.constant 0 : i32
        %dma_wait3A_259 = arith.constant 0 : i32
        %dma_wait3A_260 = tpu.memref_slice %arg10[%select_n3A_248, %dma_wait3A_258, %dma_wait3A_259] : memref<2x128x256xf32, #tpu.memory_space<vmem>> -> memref<1x8x256xf32, #tpu.memory_space<vmem>>
        %dma_wait3A_261 = tpu.memref_squeeze %dma_wait3A_260 : memref<1x8x256xf32, #tpu.memory_space<vmem>> -> memref<8x256xf32, #tpu.memory_space<vmem>>
        %dma_wait3A_262 = arith.constant 0 : i32
        %dma_wait3A_263 = arith.constant 0 : i32
        %dma_wait3A_264 = tpu.memref_slice %arg2[%dma_wait3A_262, %dma_wait3A_263] : memref<100000x256xf32, #tpu.memory_space<hbm>> -> memref<8x256xf32, #tpu.memory_space<hbm>>
        tpu.wait_dma2 semaphore(%dma_wait3A_257 : memref<!tpu.dma_semaphore, #tpu.memory_space<semaphore_mem>>) src(%dma_wait3A_264 : memref<8x256xf32, #tpu.memory_space<hbm>>) dst(%dma_wait3A_261 : memref<8x256xf32, #tpu.memory_space<vmem>>)
      } else {
      }
      %broadcast_in_dim3A = vector.broadcast %select_n3A_160 : i32 to vector<16xi32>
      %scan3A_211 = arith.constant 0 : i32
      %scan3A_212 = arith.constant 128 : i32
      %scan3A_213 = arith.addi %scan3A_211, %scan3A_212 : i32
      %scan3A_214 = arith.constant 1 : i32
      scf.for %scan3A_231 = %scan3A_211 to %scan3A_213 step %scan3A_214  : i32 {
        %broadcast_in_dim3A_232 = vector.broadcast %scan3A_231 : i32 to vector<16xi32>
        %gather3A = tpu.vector_load_idx %arg10[%broadcast_in_dim3A, %broadcast_in_dim3A_232, %get3A_33] : memref<2x128x256xf32, #tpu.memory_space<vmem>>[vector<16xi32>, vector<16xi32>, vector<16xi32>], vector<16xf32>,
        %swap3A = arith.index_cast %select_n3A_160 : i32 to index
        %swap3A_233 = arith.index_cast %scan3A_231 : i32 to index
        %swap3A_234 = arith.constant 0 : index
        %swap3A_235 = tpu.vector_load %arg12[%swap3A, %swap3A_233, %swap3A_234] {strides = array<i32>} : memref<2x128x16xf32, #tpu.memory_space<vmem>>, vector<16xf32>,
        tpu.vector_store %arg12[%swap3A, %swap3A_233, %swap3A_234], %gather3A {strides = array<i32>} : memref<2x128x16xf32, #tpu.memory_space<vmem>>, vector<16xf32>,
        %mul3A_236 = arith.constant 128 : i32
        %mul3A_237 = arith.muli %scan3A_144, %mul3A_236 : i32
        %add3A_238 = arith.addi %mul3A_32, %mul3A_237 : i32
        %add3A_239 = arith.addi %add3A_238, %scan3A_231 : i32
        %dma_start3A_240 = arith.constant 0 : i32
        %dma_start3A_241 = tpu.memref_slice %arg12[%select_n3A_160, %scan3A_231, %dma_start3A_240] : memref<2x128x16xf32, #tpu.memory_space<vmem>> -> memref<1x1x16xf32, #tpu.memory_space<vmem>>
        %dma_start3A_242 = tpu.memref_squeeze %dma_start3A_241 : memref<1x1x16xf32, #tpu.memory_space<vmem>> -> memref<16xf32, #tpu.memory_space<vmem>>
        %dma_start3A_243 = arith.constant 0 : i32
        %dma_start3A_244 = tpu.memref_slice %arg6[%select_n3A, %add3A_239, %dma_start3A_243] : memref<16x8192x16xf32, #tpu.memory_space<hbm>> -> memref<1x1x16xf32, #tpu.memory_space<hbm>>
        %dma_start3A_245 = tpu.memref_squeeze %dma_start3A_244 : memref<1x1x16xf32, #tpu.memory_space<hbm>> -> memref<16xf32, #tpu.memory_space<hbm>>
        %dma_start3A_246 = tpu.memref_slice %arg15[%select_n3A_160] : memref<2x!tpu.dma_semaphore, #tpu.memory_space<semaphore_mem>> -> memref<1x!tpu.dma_semaphore, #tpu.memory_space<semaphore_mem>>
        %dma_start3A_247 = tpu.memref_squeeze %dma_start3A_246 : memref<1x!tpu.dma_semaphore, #tpu.memory_space<semaphore_mem>> -> memref<!tpu.dma_semaphore, #tpu.memory_space<semaphore_mem>>
        %dma_start3A_248 = arith.constant 0 : i32
        %dma_start3A_249 = tpu.memref_slice %arg6[%select_n3A, %add3A_239, %dma_start3A_248] : memref<16x8192x16xf32, #tpu.memory_space<hbm>> -> memref<1x1x16xf32, #tpu.memory_space<hbm>>
        %dma_start3A_250 = tpu.memref_squeeze %dma_start3A_249 : memref<1x1x16xf32, #tpu.memory_space<hbm>> -> memref<16xf32, #tpu.memory_space<hbm>>
        %dma_start3A_251 = arith.constant 0 : i32
        %dma_start3A_252 = tpu.memref_slice %arg12[%select_n3A_160, %scan3A_231, %dma_start3A_251] : memref<2x128x16xf32, #tpu.memory_space<vmem>> -> memref<1x1x16xf32, #tpu.memory_space<vmem>>
        %dma_start3A_253 = tpu.memref_squeeze %dma_start3A_252 : memref<1x1x16xf32, #tpu.memory_space<vmem>> -> memref<16xf32, #tpu.memory_space<vmem>>
        tpu.enqueue_dma source(%dma_start3A_253 : memref<16xf32, #tpu.memory_space<vmem>>) target(%dma_start3A_250 : memref<16xf32, #tpu.memory_space<hbm>>) target_semaphore(%dma_start3A_247 : memref<!tpu.dma_semaphore, #tpu.memory_space<semaphore_mem>>)
      }
      %scan3A_215 = arith.constant 128 : i32
      %mul3A_216 = arith.constant 128 : i32
      %mul3A_217 = arith.muli %scan3A_144, %mul3A_216 : i32
      %add3A_218 = arith.addi %mul3A_32, %mul3A_217 : i32
      %dma_start3A_219 = arith.constant 0 : i32
      %dma_start3A_220 = tpu.memref_slice %arg11[%select_n3A_176, %dma_start3A_219] : memref<4x128xi32, #tpu.memory_space<vmem>> -> memref<1x128xi32, #tpu.memory_space<vmem>>
      %dma_start3A_221 = tpu.memref_squeeze %dma_start3A_220 : memref<1x128xi32, #tpu.memory_space<vmem>> -> memref<128xi32, #tpu.memory_space<vmem>>
      %dma_start3A_222 = tpu.memref_slice %arg7[%select_n3A, %add3A_218] : memref<16x8192xi32, #tpu.memory_space<hbm>> -> memref<1x128xi32, #tpu.memory_space<hbm>>
      %dma_start3A_223 = tpu.memref_squeeze %dma_start3A_222 : memref<1x128xi32, #tpu.memory_space<hbm>> -> memref<128xi32, #tpu.memory_space<hbm>>
      %dma_start3A_224 = tpu.memref_slice %arg16[%select_n3A_176] : memref<4x!tpu.dma_semaphore, #tpu.memory_space<semaphore_mem>> -> memref<1x!tpu.dma_semaphore, #tpu.memory_space<semaphore_mem>>
      %dma_start3A_225 = tpu.memref_squeeze %dma_start3A_224 : memref<1x!tpu.dma_semaphore, #tpu.memory_space<semaphore_mem>> -> memref<!tpu.dma_semaphore, #tpu.memory_space<semaphore_mem>>
      %dma_start3A_226 = tpu.memref_slice %arg7[%select_n3A, %add3A_218] : memref<16x8192xi32, #tpu.memory_space<hbm>> -> memref<1x128xi32, #tpu.memory_space<hbm>>
      %dma_start3A_227 = tpu.memref_squeeze %dma_start3A_226 : memref<1x128xi32, #tpu.memory_space<hbm>> -> memref<128xi32, #tpu.memory_space<hbm>>
      %dma_start3A_228 = arith.constant 0 : i32
      %dma_start3A_229 = tpu.memref_slice %arg11[%select_n3A_176, %dma_start3A_228] : memref<4x128xi32, #tpu.memory_space<vmem>> -> memref<1x128xi32, #tpu.memory_space<vmem>>
      %dma_start3A_230 = tpu.memref_squeeze %dma_start3A_229 : memref<1x128xi32, #tpu.memory_space<vmem>> -> memref<128xi32, #tpu.memory_space<vmem>>
      tpu.enqueue_dma source(%dma_start3A_230 : memref<128xi32, #tpu.memory_space<vmem>>) target(%dma_start3A_227 : memref<128xi32, #tpu.memory_space<hbm>>) target_semaphore(%dma_start3A_225 : memref<!tpu.dma_semaphore, #tpu.memory_space<semaphore_mem>>)
    }
    %scan3A_60 = arith.constant 32 : i32
    %dma_wait3A = arith.constant 0 : i32
    %dma_wait3A_61 = arith.constant 0 : i32
    %dma_wait3A_62 = arith.constant 0 : i32
    %dma_wait3A_63 = arith.constant 0 : i32
    %dma_wait3A_64 = tpu.memref_slice %arg10[%dma_wait3A, %dma_wait3A_62, %dma_wait3A_63] : memref<2x128x256xf32, #tpu.memory_space<vmem>> -> memref<1x8x256xf32, #tpu.memory_space<vmem>>
    %dma_wait3A_65 = tpu.memref_squeeze %dma_wait3A_64 : memref<1x8x256xf32, #tpu.memory_space<vmem>> -> memref<8x256xf32, #tpu.memory_space<vmem>>
    %dma_wait3A_66 = arith.constant 0 : i32
    %dma_wait3A_67 = arith.constant 0 : i32
    %dma_wait3A_68 = tpu.memref_slice %arg2[%dma_wait3A_66, %dma_wait3A_67] : memref<100000x256xf32, #tpu.memory_space<hbm>> -> memref<8x256xf32, #tpu.memory_space<hbm>>
    %dma_wait3A_69 = tpu.memref_slice %arg15[%dma_wait3A_61] : memref<2x!tpu.dma_semaphore, #tpu.memory_space<semaphore_mem>> -> memref<1x!tpu.dma_semaphore, #tpu.memory_space<semaphore_mem>>
    %dma_wait3A_70 = tpu.memref_squeeze %dma_wait3A_69 : memref<1x!tpu.dma_semaphore, #tpu.memory_space<semaphore_mem>> -> memref<!tpu.dma_semaphore, #tpu.memory_space<semaphore_mem>>
    %dma_wait3A_71 = arith.constant 0 : i32
    %dma_wait3A_72 = arith.constant 0 : i32
    %dma_wait3A_73 = tpu.memref_slice %arg10[%dma_wait3A, %dma_wait3A_71, %dma_wait3A_72] : memref<2x128x256xf32, #tpu.memory_space<vmem>> -> memref<1x8x256xf32, #tpu.memory_space<vmem>>
    %dma_wait3A_74 = tpu.memref_squeeze %dma_wait3A_73 : memref<1x8x256xf32, #tpu.memory_space<vmem>> -> memref<8x256xf32, #tpu.memory_space<vmem>>
    %dma_wait3A_75 = arith.constant 0 : i32
    %dma_wait3A_76 = arith.constant 0 : i32
    %dma_wait3A_77 = tpu.memref_slice %arg2[%dma_wait3A_75, %dma_wait3A_76] : memref<100000x256xf32, #tpu.memory_space<hbm>> -> memref<8x256xf32, #tpu.memory_space<hbm>>
    tpu.wait_dma2 semaphore(%dma_wait3A_70 : memref<!tpu.dma_semaphore, #tpu.memory_space<semaphore_mem>>) src(%dma_wait3A_77 : memref<8x256xf32, #tpu.memory_space<hbm>>) dst(%dma_wait3A_74 : memref<8x256xf32, #tpu.memory_space<vmem>>)
    %dma_wait3A_78 = arith.constant 1 : i32
    %dma_wait3A_79 = arith.constant 1 : i32
    %dma_wait3A_80 = arith.constant 0 : i32
    %dma_wait3A_81 = arith.constant 0 : i32
    %dma_wait3A_82 = tpu.memref_slice %arg10[%dma_wait3A_78, %dma_wait3A_80, %dma_wait3A_81] : memref<2x128x256xf32, #tpu.memory_space<vmem>> -> memref<1x8x256xf32, #tpu.memory_space<vmem>>
    %dma_wait3A_83 = tpu.memref_squeeze %dma_wait3A_82 : memref<1x8x256xf32, #tpu.memory_space<vmem>> -> memref<8x256xf32, #tpu.memory_space<vmem>>
    %dma_wait3A_84 = arith.constant 0 : i32
    %dma_wait3A_85 = arith.constant 0 : i32
    %dma_wait3A_86 = tpu.memref_slice %arg2[%dma_wait3A_84, %dma_wait3A_85] : memref<100000x256xf32, #tpu.memory_space<hbm>> -> memref<8x256xf32, #tpu.memory_space<hbm>>
    %dma_wait3A_87 = tpu.memref_slice %arg15[%dma_wait3A_79] : memref<2x!tpu.dma_semaphore, #tpu.memory_space<semaphore_mem>> -> memref<1x!tpu.dma_semaphore, #tpu.memory_space<semaphore_mem>>
    %dma_wait3A_88 = tpu.memref_squeeze %dma_wait3A_87 : memref<1x!tpu.dma_semaphore, #tpu.memory_space<semaphore_mem>> -> memref<!tpu.dma_semaphore, #tpu.memory_space<semaphore_mem>>
    %dma_wait3A_89 = arith.constant 0 : i32
    %dma_wait3A_90 = arith.constant 0 : i32
    %dma_wait3A_91 = tpu.memref_slice %arg10[%dma_wait3A_78, %dma_wait3A_89, %dma_wait3A_90] : memref<2x128x256xf32, #tpu.memory_space<vmem>> -> memref<1x8x256xf32, #tpu.memory_space<vmem>>
    %dma_wait3A_92 = tpu.memref_squeeze %dma_wait3A_91 : memref<1x8x256xf32, #tpu.memory_space<vmem>> -> memref<8x256xf32, #tpu.memory_space<vmem>>
    %dma_wait3A_93 = arith.constant 0 : i32
    %dma_wait3A_94 = arith.constant 0 : i32
    %dma_wait3A_95 = tpu.memref_slice %arg2[%dma_wait3A_93, %dma_wait3A_94] : memref<100000x256xf32, #tpu.memory_space<hbm>> -> memref<8x256xf32, #tpu.memory_space<hbm>>
    tpu.wait_dma2 semaphore(%dma_wait3A_88 : memref<!tpu.dma_semaphore, #tpu.memory_space<semaphore_mem>>) src(%dma_wait3A_95 : memref<8x256xf32, #tpu.memory_space<hbm>>) dst(%dma_wait3A_92 : memref<8x256xf32, #tpu.memory_space<vmem>>)
    %add3A_96 = arith.constant 3712 : i32
    %add3A_97 = arith.addi %mul3A_32, %add3A_96 : i32
    %dma_wait3A_98 = arith.constant 1 : i32
    %dma_wait3A_99 = arith.constant 1 : i32
    %dma_wait3A_100 = arith.constant 0 : i32
    %dma_wait3A_101 = tpu.memref_slice %arg11[%dma_wait3A_98, %dma_wait3A_100] : memref<4x128xi32, #tpu.memory_space<vmem>> -> memref<1x128xi32, #tpu.memory_space<vmem>>
    %dma_wait3A_102 = tpu.memref_squeeze %dma_wait3A_101 : memref<1x128xi32, #tpu.memory_space<vmem>> -> memref<128xi32, #tpu.memory_space<vmem>>
    %dma_wait3A_103 = tpu.memref_slice %arg7[%select_n3A, %add3A_97] : memref<16x8192xi32, #tpu.memory_space<hbm>> -> memref<1x128xi32, #tpu.memory_space<hbm>>
    %dma_wait3A_104 = tpu.memref_squeeze %dma_wait3A_103 : memref<1x128xi32, #tpu.memory_space<hbm>> -> memref<128xi32, #tpu.memory_space<hbm>>
    %dma_wait3A_105 = tpu.memref_slice %arg16[%dma_wait3A_99] : memref<4x!tpu.dma_semaphore, #tpu.memory_space<semaphore_mem>> -> memref<1x!tpu.dma_semaphore, #tpu.memory_space<semaphore_mem>>
    %dma_wait3A_106 = tpu.memref_squeeze %dma_wait3A_105 : memref<1x!tpu.dma_semaphore, #tpu.memory_space<semaphore_mem>> -> memref<!tpu.dma_semaphore, #tpu.memory_space<semaphore_mem>>
    %dma_wait3A_107 = tpu.memref_slice %arg7[%select_n3A, %add3A_97] : memref<16x8192xi32, #tpu.memory_space<hbm>> -> memref<1x128xi32, #tpu.memory_space<hbm>>
    %dma_wait3A_108 = tpu.memref_squeeze %dma_wait3A_107 : memref<1x128xi32, #tpu.memory_space<hbm>> -> memref<128xi32, #tpu.memory_space<hbm>>
    %dma_wait3A_109 = arith.constant 0 : i32
    %dma_wait3A_110 = tpu.memref_slice %arg11[%dma_wait3A_98, %dma_wait3A_109] : memref<4x128xi32, #tpu.memory_space<vmem>> -> memref<1x128xi32, #tpu.memory_space<vmem>>
    %dma_wait3A_111 = tpu.memref_squeeze %dma_wait3A_110 : memref<1x128xi32, #tpu.memory_space<vmem>> -> memref<128xi32, #tpu.memory_space<vmem>>
    tpu.wait_dma2 semaphore(%dma_wait3A_106 : memref<!tpu.dma_semaphore, #tpu.memory_space<semaphore_mem>>) src(%dma_wait3A_111 : memref<128xi32, #tpu.memory_space<vmem>>) dst(%dma_wait3A_108 : memref<128xi32, #tpu.memory_space<hbm>>)
    %add3A_112 = arith.constant 3840 : i32
    %add3A_113 = arith.addi %mul3A_32, %add3A_112 : i32
    %dma_wait3A_114 = arith.constant 2 : i32
    %dma_wait3A_115 = arith.constant 2 : i32
    %dma_wait3A_116 = arith.constant 0 : i32
    %dma_wait3A_117 = tpu.memref_slice %arg11[%dma_wait3A_114, %dma_wait3A_116] : memref<4x128xi32, #tpu.memory_space<vmem>> -> memref<1x128xi32, #tpu.memory_space<vmem>>
    %dma_wait3A_118 = tpu.memref_squeeze %dma_wait3A_117 : memref<1x128xi32, #tpu.memory_space<vmem>> -> memref<128xi32, #tpu.memory_space<vmem>>
    %dma_wait3A_119 = tpu.memref_slice %arg7[%select_n3A, %add3A_113] : memref<16x8192xi32, #tpu.memory_space<hbm>> -> memref<1x128xi32, #tpu.memory_space<hbm>>
    %dma_wait3A_120 = tpu.memref_squeeze %dma_wait3A_119 : memref<1x128xi32, #tpu.memory_space<hbm>> -> memref<128xi32, #tpu.memory_space<hbm>>
    %dma_wait3A_121 = tpu.memref_slice %arg16[%dma_wait3A_115] : memref<4x!tpu.dma_semaphore, #tpu.memory_space<semaphore_mem>> -> memref<1x!tpu.dma_semaphore, #tpu.memory_space<semaphore_mem>>
    %dma_wait3A_122 = tpu.memref_squeeze %dma_wait3A_121 : memref<1x!tpu.dma_semaphore, #tpu.memory_space<semaphore_mem>> -> memref<!tpu.dma_semaphore, #tpu.memory_space<semaphore_mem>>
    %dma_wait3A_123 = tpu.memref_slice %arg7[%select_n3A, %add3A_113] : memref<16x8192xi32, #tpu.memory_space<hbm>> -> memref<1x128xi32, #tpu.memory_space<hbm>>
    %dma_wait3A_124 = tpu.memref_squeeze %dma_wait3A_123 : memref<1x128xi32, #tpu.memory_space<hbm>> -> memref<128xi32, #tpu.memory_space<hbm>>
    %dma_wait3A_125 = arith.constant 0 : i32
    %dma_wait3A_126 = tpu.memref_slice %arg11[%dma_wait3A_114, %dma_wait3A_125] : memref<4x128xi32, #tpu.memory_space<vmem>> -> memref<1x128xi32, #tpu.memory_space<vmem>>
    %dma_wait3A_127 = tpu.memref_squeeze %dma_wait3A_126 : memref<1x128xi32, #tpu.memory_space<vmem>> -> memref<128xi32, #tpu.memory_space<vmem>>
    tpu.wait_dma2 semaphore(%dma_wait3A_122 : memref<!tpu.dma_semaphore, #tpu.memory_space<semaphore_mem>>) src(%dma_wait3A_127 : memref<128xi32, #tpu.memory_space<vmem>>) dst(%dma_wait3A_124 : memref<128xi32, #tpu.memory_space<hbm>>)
    %add3A_128 = arith.constant 3968 : i32
    %add3A_129 = arith.addi %mul3A_32, %add3A_128 : i32
    %dma_wait3A_130 = arith.constant 3 : i32
    %dma_wait3A_131 = arith.constant 3 : i32
    %dma_wait3A_132 = arith.constant 0 : i32
    %dma_wait3A_133 = tpu.memref_slice %arg11[%dma_wait3A_130, %dma_wait3A_132] : memref<4x128xi32, #tpu.memory_space<vmem>> -> memref<1x128xi32, #tpu.memory_space<vmem>>
    %dma_wait3A_134 = tpu.memref_squeeze %dma_wait3A_133 : memref<1x128xi32, #tpu.memory_space<vmem>> -> memref<128xi32, #tpu.memory_space<vmem>>
    %dma_wait3A_135 = tpu.memref_slice %arg7[%select_n3A, %add3A_129] : memref<16x8192xi32, #tpu.memory_space<hbm>> -> memref<1x128xi32, #tpu.memory_space<hbm>>
    %dma_wait3A_136 = tpu.memref_squeeze %dma_wait3A_135 : memref<1x128xi32, #tpu.memory_space<hbm>> -> memref<128xi32, #tpu.memory_space<hbm>>
    %dma_wait3A_137 = tpu.memref_slice %arg16[%dma_wait3A_131] : memref<4x!tpu.dma_semaphore, #tpu.memory_space<semaphore_mem>> -> memref<1x!tpu.dma_semaphore, #tpu.memory_space<semaphore_mem>>
    %dma_wait3A_138 = tpu.memref_squeeze %dma_wait3A_137 : memref<1x!tpu.dma_semaphore, #tpu.memory_space<semaphore_mem>> -> memref<!tpu.dma_semaphore, #tpu.memory_space<semaphore_mem>>
    %dma_wait3A_139 = tpu.memref_slice %arg7[%select_n3A, %add3A_129] : memref<16x8192xi32, #tpu.memory_space<hbm>> -> memref<1x128xi32, #tpu.memory_space<hbm>>
    %dma_wait3A_140 = tpu.memref_squeeze %dma_wait3A_139 : memref<1x128xi32, #tpu.memory_space<hbm>> -> memref<128xi32, #tpu.memory_space<hbm>>
    %dma_wait3A_141 = arith.constant 0 : i32
    %dma_wait3A_142 = tpu.memref_slice %arg11[%dma_wait3A_130, %dma_wait3A_141] : memref<4x128xi32, #tpu.memory_space<vmem>> -> memref<1x128xi32, #tpu.memory_space<vmem>>
    %dma_wait3A_143 = tpu.memref_squeeze %dma_wait3A_142 : memref<1x128xi32, #tpu.memory_space<vmem>> -> memref<128xi32, #tpu.memory_space<vmem>>
    tpu.wait_dma2 semaphore(%dma_wait3A_138 : memref<!tpu.dma_semaphore, #tpu.memory_space<semaphore_mem>>) src(%dma_wait3A_143 : memref<128xi32, #tpu.memory_space<vmem>>) dst(%dma_wait3A_140 : memref<128xi32, #tpu.memory_space<hbm>>)
    return
  }
}

</mosaic_0001>

<sc_bundles>
// kernel: kernel.3.cloned.1.call-start
scs
__scs_entry_jumppad:
0x0: {  	(pc) =	sbr.rel $0x88, $3  }
0x1: {  	(tag) =	ssettag $0x0;
	lr =	simm.s32 $0x1  }
0x2: {  	[smem:$0x3F9D] =	sst lr;
	_ =	strace $0xD0000000  }
0x3: {  	_ = 	snop  }
0x4: {  	_ = 	snop  }
0x5: {  	_ = 	snop  }
0x6: {  	_ = 	snop  }
0x7: {  	_ = 	snop  }
__scs_overlays_trampoline_lowered:
0x8: {  	[smem:$0x3FAC] =	sst s0  }
0x9: {  	[smem:$0x3FAD] =	sst s1  }
0xa: {  	[smem:$0x3FAE] =	sst s2  }
0xb: {  	[smem:$0x3FAF] =	sst s3  }
0xc: {  	[smem:$0x3FB0] =	sst s4  }
0xd: {  	[smem:$0x3FB1] =	sst s5  }
0xe: {  	[smem:$0x3FB2] =	sst s6  }
0xf: {  	[smem:$0x3FB3] =	sst s7  }
0x10: {  	[smem:$0x3FB4] =	sst s8  }
0x11: {  	[smem:$0x3FB5] =	sst s9;
	s0 =	simm.s32 @!p0 $0x0  }
0x12: {  	s1 =	sld [smem:$0x3F9B];
	s0 =	simm.s32 @p0 $0x1  }
0x13: {  	[smem:$0x3FB6] =	sst s0;
	s0 =	simm.s32 @!p1 $0x0  }
0x14: {  	s2 =	sld [smem:$0x3F9A];
	s0 =	simm.s32 @p1 $0x1  }
0x15: {  	[smem:$0x3FB7] =	sst s0;
	s0 =	simm.s32 @!p2 $0x0  }
0x16: {  	s3 =	sld [smem:$0x3FDB];
	s0 =	simm.s32 @p2 $0x1  }
0x17: {  	s4 =	simm.s32 $0x1BF5;
	[smem:$0x3FB9] =	sst s0  }
0x18: {  	s0 =	sld [smem:$0x3F9C];
	_ =	swait.ge [sflag:s4], $0x0  }
0x19: {  	s7 =	sld [smem:$0x3F9D]  }
0x1a: {  	s8 =	sadd.s32 $0xFFFFE003, lr  }
0x1b: {  	s9 =	sadd.s32 $0xFFFFFEF7, lr;
	s5 =	simm.s32 $0xFFFFFFFF;
	p2 =	slt.u32 s8, $0xFFFFF086  }
0x1c: {  	p1 =	slt.u32 s9, $0xF7A;
	s5 =	simm.s32 @!p2 $0x0  }
0x1d: {  	s5 =	simm.s32 @p1 $0x1;
	p0 =	seq.s32 s7, s2  }
0x1e: {  	s7 =	smul.u32 @!p0 $0xF7A, s2;
	p2 =	seq.s32 @!p0 s5, $0x0  }
0x1f: {  	s9 =	smul.u32 $0xF7A, s1;
	s8 =	simm.s32 @!p0 $0x1BF5;
	p2 =	por !p2, p0  }
0x20: {  	[sflag:s8] =	ssyncset.s32 @!p0 $0xFFFFF086;
	s6 =	sadd.s32 @!p0 s3, s7;
	s7 =	simm.s32 @!p0 $0x108  }
0x21: {  	s3 =	sadd.s32 s3, s9;
	s6 =	sadd.s32 @!p0 $0x88, s6;
	s7 =	simm.s32 @p2 $0x1082  }
0x22: {  	[simem:s7], [sflag:s8] =	dma.local @!p0 [hbm:s6], $0xF7A  }
0x23: {  	s9 =	sor.u32 $0xD0000000, s2;
	s6 =	simm.s32 $0x108;
	_ =	swait.ge @!p0 [sflag:s8], $0x0  }
0x24: {  	s3 =	sadd.s32 $0x88, s3;
	s6 =	simm.s32 @!p1 $0x1082;
	[sflag:s4] =	ssyncset.s32 $0xFFFFF086  }
0x25: {  	[simem:s6], [sflag:s4] =	dma.local [hbm:s3], $0xF7A  }
0x26: {  	[smem:$0x3F9D] =	sst s1;
	(tag) =	ssettag s2;
	_ =	strace s9  }
0x27: {  	s1 =	sld [smem:$0x3FAD]  }
0x28: {  	s2 =	sld [smem:$0x3FAE]  }
0x29: {  	s4 =	sld [smem:$0x3FB0]  }
0x2a: {  	p0 =	seq.s32 s5, $0x0;
	s5 =	sld [smem:$0x3FB1]  }
0x2b: {  	s6 =	sld [smem:$0x3FB2]  }
0x2c: {  	s7 =	sld [smem:$0x3FB3]  }
0x2d: {  	s3 =	simm.s32 $0x108;
	s8 =	sld [smem:$0x3FB4]  }
0x2e: {  	s3 =	simm.s32 @!p0 $0x1082;
	s9 =	sld [smem:$0x3FB5]  }
0x2f: {  	lr =	sadd.s32 s0, s3;
	s0 =	sld [smem:$0x3FAC]  }
0x30: {  	s3 =	sld [smem:$0x3FAF]  }
0x31: {  	[smem:$0x3FB8] =	sst s10  }
0x32: {  	s10 =	sld [smem:$0x3FB6];
	_ =	sdelay $0x3  }
0x33: {  	p0 =	seq.s32 s10, $0x1;
	s10 =	sld [smem:$0x3FB8];
	_ =	sdelay $0x3  }
0x34: {  	[smem:$0x3FB8] =	sst s10  }
0x35: {  	s10 =	sld [smem:$0x3FB7];
	_ =	sdelay $0x3  }
0x36: {  	p1 =	seq.s32 s10, $0x1;
	s10 =	sld [smem:$0x3FB8];
	_ =	sdelay $0x3  }
0x37: {  	[smem:$0x3FB8] =	sst s10  }
0x38: {  	s10 =	sld [smem:$0x3FB9]  }
0x39: {  	_ = 	snop;
	(pc) =	sbr.ind lr, $3  }
0x3a: {  	_ = 	snop  }
0x3b: {  	_ = 	snop  }
0x3c: {  	p2 =	seq.s32 s10, $0x1;
	s10 =	sld [smem:$0x3FB8]  }
0x3d: {  	_ =	shalt  }
0x3e: {  	_ =	shalt  }
0x3f: {  	_ =	shalt  }
0x40: {  	_ =	shalt  }
0x41: {  	_ =	shalt  }
0x42: {  	_ =	shalt  }
0x43: {  	_ =	shalt  }
0x44: {  	_ =	shalt  }
0x45: {  	_ =	shalt  }
0x46: {  	_ =	shalt  }
0x47: {  	_ =	shalt  }
0x48: {  	_ =	shalt  }
0x49: {  	_ =	shalt  }
0x4a: {  	_ =	shalt  }
0x4b: {  	_ =	shalt  }
0x4c: {  	_ =	shalt  }
0x4d: {  	_ =	shalt  }
0x4e: {  	_ =	shalt  }
0x4f: {  	_ =	shalt  }
0x50: {  	_ =	shalt  }
0x51: {  	_ =	shalt  }
0x52: {  	_ =	shalt  }
0x53: {  	_ =	shalt  }
0x54: {  	_ =	shalt  }
0x55: {  	_ =	shalt  }
0x56: {  	_ =	shalt  }
0x57: {  	_ =	shalt  }
0x58: {  	_ =	shalt  }
0x59: {  	_ =	shalt  }
0x5a: {  	_ =	shalt  }
0x5b: {  	_ =	shalt  }
0x5c: {  	_ =	shalt  }
0x5d: {  	_ =	shalt  }
0x5e: {  	_ =	shalt  }
0x5f: {  	_ =	shalt  }
0x60: {  	_ =	shalt  }
0x61: {  	_ =	shalt  }
0x62: {  	_ =	shalt  }
0x63: {  	_ =	shalt  }
0x64: {  	_ =	shalt  }
0x65: {  	_ =	shalt  }
0x66: {  	_ =	shalt  }
0x67: {  	_ =	shalt  }
0x68: {  	_ =	shalt  }
0x69: {  	_ =	shalt  }
0x6a: {  	_ =	shalt  }
0x6b: {  	_ =	shalt  }
0x6c: {  	_ =	shalt  }
0x6d: {  	_ =	shalt  }
0x6e: {  	_ =	shalt  }
0x6f: {  	_ =	shalt  }
0x70: {  	_ =	shalt  }
0x71: {  	_ =	shalt  }
0x72: {  	_ =	shalt  }
0x73: {  	_ =	shalt  }
0x74: {  	_ =	shalt  }
0x75: {  	_ =	shalt  }
0x76: {  	_ =	shalt  }
0x77: {  	_ =	shalt  }
0x78: {  	_ =	shalt  }
0x79: {  	_ =	shalt  }
0x7a: {  	_ =	shalt  }
0x7b: {  	_ =	shalt  }
0x7c: {  	_ =	shalt  }
0x7d: {  	_ =	shalt  }
0x7e: {  	_ =	shalt  }
0x7f: {  	_ =	shalt  }
0x80: {  	_ =	shalt  }
0x81: {  	_ =	shalt  }
0x82: {  	_ =	shalt  }
0x83: {  	_ =	shalt  }
0x84: {  	_ =	shalt  }
0x85: {  	_ =	shalt  }
0x86: {  	_ =	shalt  }
0x87: {  	_ =	shalt  }
.Lfunc_end0:
.L_simem_size_0:
called_computation_lowered:
.L_overlay_start_0:
0x88: {  	s2 =	sld [smem:$0x3FD9]  }
0x89: {  	s3 =	sld [smem:$0x3FFE];
	_ =	sdelay $0x1  }
0x8a: {  	s1 =	srdreg.scid  }
0x8b: {  	s0 =	sand.u32 $0x1, s1  }
0x8c: {  	s14 =	sshll.u32 s0, $0xA;
	s2 =	sadd.s32 s3, s2  }
0x8d: {  	s2 =	sadd.s32 s2, s14  }
0x8e: {  	[smem:$0x3FC4] =	sst s2  }
0x8f: {  	_ = 	snop  }
0x90: {  	s2 =	sld [smem:$0x3FC9]  }
0x91: {  	s15 =	sld [smem:$0x3FD0]  }
0x92: {  	s4 =	sld [smem:$0x3FC8]  }
0x93: {  	s5 =	sld [smem:$0x3FC7]  }
0x94: {  	s7 =	simm.s32 $0xA;
	s8 =	simm.s32 $0x10;
	s6 =	sld [smem:$0x3FC6]  }
0x95: {  	[smem:s8], [sflag:s7] =	dma.local [hbm:s15], $0x1  }
0x96: {  	_ =	swait.eq [sflag:s7], $0x1  }
0x97: {  	[sflag:s7] =	ssyncset.done $0x0  }
0x98: {  	[sflag:s7] =	ssyncadd.s32 $0xFFFFFFFF  }
0x99: {  	s16 =	sld [smem:$0x11];
	(tm) =	ssettm $0x1  }
0x9a: {  	s17 =	sld [smem:$0x3FFB];
	_ =	sdelay $0x3  }
0x9b: {  	_ =	strace s17  }
0x9c: {  	s7 =	sld [smem:$0x3FFC];
	_ =	sdelay $0x3  }
0x9d: {  	_ =	strace s7  }
0x9e: {  	s7 =	sld [smem:$0x3FFD];
	_ =	sdelay $0x3  }
0x9f: {  	_ =	strace s7  }
0xa0: {  	_ =	strace $0x8FFFFFFF  }
0xa1: {  	s18 =	sld [smem:$0x3FDB];
	_ =	sdelay $0x1  }
0xa2: {  	s19 =	simm.s32 $_scs_section_size  }
0xa3: {  	s9 =	simm.s32 $_size__tile_overlayer_lowered;
	s10 =	simm.s32 $_tile_overlayer_lowered  }
0xa4: {  	s22 =	simm.s32 $0x1BFF;
	s21 =	sshll.u32 s10, $0x1;
	s7 =	sadd.s32 s19, s18  }
0xa5: {  	s11 =	simm.s32 $0x0;
	s20 =	sshll.u32 s9, $0x1;
	s9 =	sadd.s32 s21, s7  }
0xa6: {  	[timem:s11], [sflag:s22] =	dma.local [hbm:s9], s20  }
0xa7: {  	_ =	swait.ge [sflag:s22], s20  }
0xa8: {  	s8 =	ssub.s32 $0x0, s20;
	[sflag:s22] =	ssyncset.done $0x0  }
0xa9: {  	[sflag:s22] =	ssyncadd.s32 s8;
	_ =	sdelay $0x1  }
0xaa: {  	s23 =	simm.s32 $0x1B8B  }
0xab: {  	_ =	swait.ge [sflag:s23], $0x1  }
0xac: {  	[sflag:s23] =	ssyncset.done $0x0  }
0xad: {  	s25 =	simm.s32 $0x1B8E;
	s24 =	sld [smem:$0x3FFE];
	[sflag:s23] =	ssyncadd.s32 $0xFFFFFFFF  }
0xae: {  	s26 =	simm.s32 $execute0_lowered;
	[smem:$0x3FD2] =	sst s25  }
0xaf: {  	s9 =	sshll.u32 s26, $0x1;
	_ =	strace $0x80000046;
	[dreg:$0x1] =	wrdreg $0xFFFFFFFF  }
0xb0: {  	s28 =	simm.s32 $_size_execute0_lowered;
	s7 =	sadd.s32 s7, s9;
	[dreg:$0x0] =	wrdreg $0x0  }
0xb1: {  	s9 =	sshll.u32 s28, $0x1;
	[dreg:$0x2] =	wrdreg s7  }
0xb2: {  	[dreg:$0x3] =	wrdreg s9  }
0xb3: {  	[dreg:$0x4] =	wrdreg $0xC0  }
0xb4: {  	_ =	task [dreg:s11], $0x5FFFF  }
0xb5: {  	[dreg:$0x1] =	wrdreg $0xFFFFFFFF  }
0xb6: {  	[dreg:$0x0] =	wrdreg $0x60  }
0xb7: {  	[dreg:$0x2] =	wrdreg s2  }
0xb8: {  	[dreg:$0x3] =	wrdreg s4  }
0xb9: {  	[dreg:$0x4] =	wrdreg s5  }
0xba: {  	[dreg:$0x5] =	wrdreg s6  }
0xbb: {  	[dreg:$0x6] =	wrdreg s24  }
0xbc: {  	[dreg:$0x7] =	wrdreg s16  }
0xbd: {  	[dreg:$0x8] =	wrdreg $0x9  }
0xbe: {  	_ =	task.clear_ibuf [dreg:s11], $0x9FFFF;
	_ =	strace $0x90000046  }
0xbf: {  	s29 =	simm.s32 $0x9;
	_ =	strace $0x80000048  }
0xc0: {  	_ =	swait.ge [sflag:s29], $0x1  }
0xc1: {  	[sflag:s29] =	ssyncadd.s32 $0xFFFFFFFF  }
0xc2: {  	_ =	strace $0x90000048  }
0xc3: {  	_ =	sfence  }
0xc4: {  	s30 =	sld [smem:$0x0];
	_ =	sdelay $0x2  }
0xc5: {  	s31 =	sshll.u32 s1, $0xD;
	s1 =	sshrl.u32 s1, $0x2  }
0xc6: {  	s3 =	sand.u32 $0x4000, s31;
	s1 =	sadd.s32 s1, s30  }
0xc7: {  	s0 =	sor.u32 s3, s0;
	s1 =	sshll.u32 s1, $0x11  }
0xc8: {  	s0 =	sor.u32 s1, s0  }
0xc9: {  	s0 =	sadd.s32 $0x8F2B, s0  }
0xca: {  	[sflag:s0] =	ssyncadd.remote.s32 $0x1  }
0xcb: {  	_ =	sfence.sel $0xFFFF  }
0xcc: {  	[dreg:$0x0] =	wrdreg $0xFFFFFFFF;
	(pc) =	sbr.abs _section_cstart, $3  }
0xcd: {  	[dreg:$0x1] =	wrdreg $0xFFFFFFFF  }
0xce: {  	_ =	task.clear_ibuf [dreg:s11], $0x2FFFF;
	_ =	strace $0x9FFFFFFF  }
0xcf: {  	(tm) =	ssettm $0x7FFFFFFF  }
tec
execute0_lowered:
.L_overlay_start_1:
0x0: {  	(tag) =	ssettag $0x1  }
0x1: {  	s1 =	rddreg [dreg:$0x0]  }
0x2: {  	s2 =	rddreg [dreg:$0x1]  }
0x3: {  	s3 =	rddreg [dreg:$0x2]  }
0x4: {  	s0 =	srdreg.scid;
	s9 =	rddreg [dreg:$0x3]  }
0x5: {  	s8 =	stileid.u32;
	s6 =	rddreg [dreg:$0x4];
	s7 =	simm.s32 $0x1  }
0x6: {  	s5 =	simm.s32 $0x0;
	s15 =	simm.s32 $0xD;
	s17 =	simm.s32 $0x1080  }
0x7: {  	s16 =	simm.s32 $0x7;
	s18 =	simm.s32 $0x8;
	s0 =	sand.u32 $0x1, s0  }
0x8: {  	s19 =	simm.s32 $0xA;
	s20 =	simm.s32 $0xB;
	s4 =	sor.u32 s0, s8  }
0x9: {  	s21 =	simm.s32 $0xC;
	p1 =	seq.s32 s0, $0x1;
	p0 =	seq.s32 s4, $0x0  }
0xa: {  	s22 =	simm.s32 $0x0;
	[smem:$0x7FF] =	sst s5;
	p0 =	por !p0, !p1  }
0xb: {  	s6 =	sadd.s32 $0x800, s6;
	s12 =	sshll.u32 s0, $0xF;
	p0 =	por !p0, !p0  }
0xc: {  	s13 =	ssub.s32 $0x2, s0;
	s4 =	rddreg [dreg:$0x5];
	s7 =	simm.s32 @!p0 $0x0  }
0xd: {  	_ =	strace $0x80000047;
	s30 =	sshrl.u32 s13, $0x1;
	s10 =	ssub.s32 s8, s7  }
0xe: {  	s7 =	sshrl.u32 s10, $0x3;
	s11 =	sshll.u32 s10, $0x7;
	s10 =	sshll.u32 s10, $0x14  }
0xf: {  	s26 =	sshll.u32 s7, $0x10;
	s11 =	sand.u32 $0x380, s11;
	s28 =	sshll.u32 s7, $0xA  }
0x10: {  	s8 =	sor.u32 s12, s26;
	s29 =	sor.u32 s11, s28;
	s12 =	sshll.u32 s0, $0x13  }
0x11: {  	v2 =	vlaneseq.u32;
	s7 =	sor.u32 s11, s8;
	s14 =	sshrl.u32 s29, $0x3;
	s11 =	ssub.s32 s13, s30  }
0x12: {  	vm0 =	vmmov $0xffff;
	v1 =	vshrl.u32 v2, $0x3;
	s13 =	simm.s32 $0x80;
	s31 =	sshrl.u32 s7, $0x3;
	s9 =	sadd.s32 s9, s14  }
0x13: {  	v0 =	vand.u32 $0x7, v2;
	v2 =	vor.u32 $0x8, v2;
	v1 =	vmul.u32 $0x8, v1;
	s11 =	smax.u32 s11, $0x1;
	s14 =	simm.s32 $0x11080;
	s8 =	sadd.s32 s3, s31  }
.LBB2_1:
0x14: {  	s0 =	simm.s32 $0x400  }
0x15: {  	[tilespmem:s5], [sflag:$0xD] =	stream.strided.gather [hbm4b:s8+s13], $0x1000, s0, s13, $0x38;
	[tilespmem:$0x19280] =	vst v63  }
0x16: {  	_ =	swait.ge [sflag:s15], $0x1000  }
0x17: {  	[sflag:s15] =	ssyncset.done $0x0  }
0x18: {  	s24 =	simm.s32 $0x1000;
	[sflag:s15] =	ssyncadd.s32 $0xFFFFF000  }
0x19: {  	[tilespmem:s24], [sflag:$0xD] =	stream.linear.gather [hbm4b:s9+s5], $0x80, $0x38;
	[tilespmem:$0x19280] =	vst v63  }
0x1a: {  	_ =	swait.ge [sflag:s15], $0x80  }
0x1b: {  	[sflag:s15] =	ssyncset.done $0x0  }
0x1c: {  	[sflag:s15] =	ssyncadd.s32 $0xFFFFFF80  }
0x1d: {  	v3 =	vld [tilespmem:$0x0];
	_ =	sdelay $0x4  }
0x1e: {  	v4 =	vshll.u32 v3, $0x1  }
0x1f: {  	v3 =	vand.u32 $0x7, v3;
	v4 =	vand.u32 $0xFFFFFFF0, v4  }
0x20: {  	v3 =	vor.u32 v3, v4  }
0x21: {  	v4 =	vperm.xlane v3, v0;
	_ =	sdelay $0x1  }
0x22: {  	v3 =	vperm.xlane v3, v2;
	v4 =	vadd.s32 v1, v4;
	_ =	sdelay $0x1  }
0x23: {  	v3 =	vadd.s32 v1, v3;
	_ =	sdelay $0x2  }
0x24: {  	v5 =	vld [tilespmem:$0x1000];
	[tilespmem:s17], [sflag:$0x1] =	stream.indirect_vreg.gather [hbm4b:s1+s5], $0x80, v4, vm0, $0xb8  }
0x25: {  	s25 =	simm.s32 $0x1880  }
0x26: {  	[tilespmem:s25], [sflag:$0x1] =	stream.indirect_vreg.gather [hbm4b:s1+s5], $0x80, v3, vm0, $0xb8;
	[tilespmem:$0x19280] =	vst v63  }
0x27: {  	v3 =	vld [tilespmem:$0x10];
	_ =	sdelay $0x4  }
0x28: {  	v4 =	vshll.u32 v3, $0x1  }
0x29: {  	v3 =	vand.u32 $0x7, v3;
	v4 =	vand.u32 $0xFFFFFFF0, v4  }
0x2a: {  	v3 =	vor.u32 v3, v4  }
0x2b: {  	v4 =	vperm.xlane v3, v0;
	_ =	sdelay $0x1  }
0x2c: {  	v3 =	vperm.xlane v3, v2;
	v4 =	vadd.s32 v1, v4;
	_ =	sdelay $0x1  }
0x2d: {  	v3 =	vadd.s32 v1, v3;
	_ =	sdelay $0x1  }
0x2e: {  	s26 =	simm.s32 $0x2080  }
0x2f: {  	[tilespmem:s26], [sflag:$0x1] =	stream.indirect_vreg.gather [hbm4b:s1+s5], $0x80, v4, vm0, $0xb8;
	[tilespmem:$0x19280] =	vst v63  }
0x30: {  	s28 =	simm.s32 $0x2880  }
0x31: {  	[tilespmem:s28], [sflag:$0x1] =	stream.indirect_vreg.gather [hbm4b:s1+s5], $0x80, v3, vm0, $0xb8;
	[tilespmem:$0x19280] =	vst v63  }
0x32: {  	v3 =	vld [tilespmem:$0x20];
	_ =	sdelay $0x4  }
0x33: {  	v4 =	vshll.u32 v3, $0x1  }
0x34: {  	v3 =	vand.u32 $0x7, v3;
	v4 =	vand.u32 $0xFFFFFFF0, v4  }
0x35: {  	v3 =	vor.u32 v3, v4  }
0x36: {  	v4 =	vperm.xlane v3, v0;
	_ =	sdelay $0x1  }
0x37: {  	v3 =	vperm.xlane v3, v2;
	v4 =	vadd.s32 v1, v4;
	_ =	sdelay $0x1  }
0x38: {  	v3 =	vadd.s32 v1, v3;
	_ =	sdelay $0x1  }
0x39: {  	s29 =	simm.s32 $0x3080  }
0x3a: {  	[tilespmem:s29], [sflag:$0x1] =	stream.indirect_vreg.gather [hbm4b:s1+s5], $0x80, v4, vm0, $0xb8;
	[tilespmem:$0x19280] =	vst v63  }
0x3b: {  	s30 =	simm.s32 $0x3880  }
0x3c: {  	[tilespmem:s30], [sflag:$0x1] =	stream.indirect_vreg.gather [hbm4b:s1+s5], $0x80, v3, vm0, $0xb8;
	[tilespmem:$0x19280] =	vst v63  }
0x3d: {  	v3 =	vld [tilespmem:$0x30];
	_ =	sdelay $0x4  }
0x3e: {  	v4 =	vshll.u32 v3, $0x1  }
0x3f: {  	v3 =	vand.u32 $0x7, v3;
	v4 =	vand.u32 $0xFFFFFFF0, v4  }
0x40: {  	v3 =	vor.u32 v3, v4  }
0x41: {  	v4 =	vperm.xlane v3, v0;
	_ =	sdelay $0x1  }
0x42: {  	v3 =	vperm.xlane v3, v2;
	v4 =	vadd.s32 v1, v4;
	_ =	sdelay $0x1  }
0x43: {  	v3 =	vadd.s32 v1, v3;
	_ =	sdelay $0x1  }
0x44: {  	s31 =	simm.s32 $0x4080  }
0x45: {  	[tilespmem:s31], [sflag:$0x1] =	stream.indirect_vreg.gather [hbm4b:s1+s5], $0x80, v4, vm0, $0xb8;
	[tilespmem:$0x19280] =	vst v63  }
0x46: {  	s3 =	simm.s32 $0x4880  }
0x47: {  	[tilespmem:s3], [sflag:$0x1] =	stream.indirect_vreg.gather [hbm4b:s1+s5], $0x80, v3, vm0, $0xb8;
	[tilespmem:$0x19280] =	vst v63  }
0x48: {  	v3 =	vld [tilespmem:$0x40];
	_ =	sdelay $0x4  }
0x49: {  	v4 =	vshll.u32 v3, $0x1  }
0x4a: {  	v3 =	vand.u32 $0x7, v3;
	v4 =	vand.u32 $0xFFFFFFF0, v4  }
0x4b: {  	v3 =	vor.u32 v3, v4  }
0x4c: {  	v4 =	vperm.xlane v3, v0;
	_ =	sdelay $0x1  }
0x4d: {  	v3 =	vperm.xlane v3, v2;
	v4 =	vadd.s32 v1, v4;
	_ =	sdelay $0x1  }
0x4e: {  	v3 =	vadd.s32 v1, v3;
	_ =	sdelay $0x1  }
0x4f: {  	s23 =	simm.s32 $0x5080  }
0x50: {  	[tilespmem:s23], [sflag:$0x1] =	stream.indirect_vreg.gather [hbm4b:s1+s5], $0x80, v4, vm0, $0xb8;
	[tilespmem:$0x19280] =	vst v63  }
0x51: {  	s24 =	simm.s32 $0x5880  }
0x52: {  	[tilespmem:s24], [sflag:$0x1] =	stream.indirect_vreg.gather [hbm4b:s1+s5], $0x80, v3, vm0, $0xb8;
	[tilespmem:$0x19280] =	vst v63  }
0x53: {  	v3 =	vld [tilespmem:$0x50];
	_ =	sdelay $0x4  }
0x54: {  	v4 =	vshll.u32 v3, $0x1  }
0x55: {  	v3 =	vand.u32 $0x7, v3;
	v4 =	vand.u32 $0xFFFFFFF0, v4  }
0x56: {  	v3 =	vor.u32 v3, v4  }
0x57: {  	v4 =	vperm.xlane v3, v0;
	_ =	sdelay $0x1  }
0x58: {  	v3 =	vperm.xlane v3, v2;
	v4 =	vadd.s32 v1, v4;
	_ =	sdelay $0x1  }
0x59: {  	v3 =	vadd.s32 v1, v3;
	_ =	sdelay $0x1  }
0x5a: {  	s25 =	simm.s32 $0x6080  }
0x5b: {  	[tilespmem:s25], [sflag:$0x1] =	stream.indirect_vreg.gather [hbm4b:s1+s5], $0x80, v4, vm0, $0xb8;
	[tilespmem:$0x19280] =	vst v63  }
0x5c: {  	s26 =	simm.s32 $0x6880  }
0x5d: {  	[tilespmem:s26], [sflag:$0x1] =	stream.indirect_vreg.gather [hbm4b:s1+s5], $0x80, v3, vm0, $0xb8;
	[tilespmem:$0x19280] =	vst v63  }
0x5e: {  	v3 =	vld [tilespmem:$0x60];
	_ =	sdelay $0x4  }
0x5f: {  	v4 =	vshll.u32 v3, $0x1  }
0x60: {  	v3 =	vand.u32 $0x7, v3;
	v4 =	vand.u32 $0xFFFFFFF0, v4  }
0x61: {  	v3 =	vor.u32 v3, v4  }
0x62: {  	v4 =	vperm.xlane v3, v0;
	_ =	sdelay $0x1  }
0x63: {  	v3 =	vperm.xlane v3, v2;
	v4 =	vadd.s32 v1, v4;
	_ =	sdelay $0x1  }
0x64: {  	v3 =	vadd.s32 v1, v3;
	_ =	sdelay $0x1  }
0x65: {  	s28 =	simm.s32 $0x7080  }
0x66: {  	[tilespmem:s28], [sflag:$0x1] =	stream.indirect_vreg.gather [hbm4b:s1+s5], $0x80, v4, vm0, $0xb8;
	[tilespmem:$0x19280] =	vst v63  }
0x67: {  	s29 =	simm.s32 $0x7880  }
0x68: {  	[tilespmem:s29], [sflag:$0x1] =	stream.indirect_vreg.gather [hbm4b:s1+s5], $0x80, v3, vm0, $0xb8;
	[tilespmem:$0x19280] =	vst v63  }
0x69: {  	v3 =	vld [tilespmem:$0x70];
	_ =	sdelay $0x4  }
0x6a: {  	v4 =	vshll.u32 v3, $0x1  }
0x6b: {  	v3 =	vand.u32 $0x7, v3;
	v4 =	vand.u32 $0xFFFFFFF0, v4  }
0x6c: {  	v3 =	vor.u32 v3, v4  }
0x6d: {  	v4 =	vperm.xlane v3, v0;
	_ =	sdelay $0x1  }
0x6e: {  	v3 =	vperm.xlane v3, v2;
	v4 =	vadd.s32 v1, v4;
	_ =	sdelay $0x1  }
0x6f: {  	v3 =	vadd.s32 v1, v3;
	_ =	sdelay $0x1  }
0x70: {  	s30 =	simm.s32 $0x8080  }
0x71: {  	[tilespmem:s30], [sflag:$0x1] =	stream.indirect_vreg.gather [hbm4b:s1+s5], $0x80, v4, vm0, $0xb8;
	[tilespmem:$0x19280] =	vst v63  }
0x72: {  	s31 =	simm.s32 $0x8880  }
0x73: {  	[tilespmem:s31], [sflag:$0x1] =	stream.indirect_vreg.gather [hbm4b:s1+s5], $0x80, v3, vm0, $0xb8;
	v3 =	vshll.u32 v5, $0x3;
	[tilespmem:$0x19280] =	vst v63  }
0x74: {  	s23 =	simm.s32 $0x0;
	v4 =	vand.u32 $0x7F, v5;
	v3 =	vand.u32 $0xFFFFFC00, v3  }
0x75: {  	[tilespmem:s14], [sflag:$0x3] =	stream.indirect.gather [hbm4b:s2+s13], $0x1, s5, s13, $0xb8;
	v3 =	vor.u32 v4, v3;
	[tilespmem:$0x19280] =	vst v63  }
.LBB2_2:
0x76: {  	p0 =	slt.u32 s23, $0x3  }
0x77: {  	p1 =	seq.s32 @!p0 s23, $0x1F  }
0x78: {  	s24 =	sadd.s32 $0x1, s23;
	p1 =	por p0, !p1  }
.Ltmp0:
0x79: {  	s26 =	sand.u32 @!p0 $0x3, s24;
	(pc) =	sbr.rel @!p1 .LBB2_4-.Ltmp0, $4  }
0x7a: {  	s3 =	sadd.s32 @!p0 $0x9, s26  }
0x7b: {  	_ =	swait.ge @!p0 [sflag:s3], $0x80  }
0x7c: {  	[sflag:s3] =	ssyncset.done @!p0 $0x0  }
0x7d: {  	s25 =	simm.s32 @!p0 $0x20;
	[sflag:s3] =	ssyncadd.s32 @!p0 $0xFFFFFF80  }
0x7e: {  	s3 =	sshll.u32 s24, $0x7  }
0x7f: {  	s25 =	sand.u32 $0x3FFFFF80, s3  }
0x80: {  	v4 =	vld [tilespmem:s25+$0x0];
	_ =	sdelay $0x4  }
0x81: {  	v5 =	vshll.u32 v4, $0x1  }
0x82: {  	v4 =	vand.u32 $0x7, v4;
	v5 =	vand.u32 $0xFFFFFFF0, v5  }
0x83: {  	v4 =	vor.u32 v4, v5  }
0x84: {  	v5 =	vperm.xlane v4, v0;
	_ =	sdelay $0x1  }
0x85: {  	v4 =	vperm.xlane v4, v2;
	v5 =	vadd.s32 v1, v5;
	_ =	sdelay $0x1  }
0x86: {  	s29 =	sand.u32 $0x1, s24;
	v4 =	vadd.s32 v1, v4  }
0x87: {  	s28 =	sshll.u32 s29, $0xF  }
0x88: {  	s29 =	sadd.s32 $0x1, s29;
	s30 =	sor.u32 $0x1080, s28  }
0x89: {  	[tilespmem:s30], [sflag:s29] =	stream.indirect_vreg.gather [hbm4b:s1+s5], $0x80, v5, vm0, $0xb8;
	[tilespmem:$0x19280] =	vst v63  }
0x8a: {  	s31 =	sor.u32 $0x1880, s28  }
0x8b: {  	[tilespmem:s31], [sflag:s29] =	stream.indirect_vreg.gather [hbm4b:s1+s5], $0x80, v4, vm0, $0xb8;
	[tilespmem:$0x19280] =	vst v63  }
0x8c: {  	v4 =	vld [tilespmem:s25+$0x10];
	_ =	sdelay $0x4  }
0x8d: {  	v5 =	vshll.u32 v4, $0x1  }
0x8e: {  	v4 =	vand.u32 $0x7, v4;
	v5 =	vand.u32 $0xFFFFFFF0, v5  }
0x8f: {  	v4 =	vor.u32 v4, v5  }
0x90: {  	v5 =	vperm.xlane v4, v0;
	_ =	sdelay $0x1  }
0x91: {  	v4 =	vperm.xlane v4, v2;
	v5 =	vadd.s32 v1, v5;
	_ =	sdelay $0x1  }
0x92: {  	v4 =	vadd.s32 v1, v4;
	_ =	sdelay $0x1  }
0x93: {  	s0 =	sor.u32 $0x2080, s28  }
0x94: {  	[tilespmem:s0], [sflag:s29] =	stream.indirect_vreg.gather [hbm4b:s1+s5], $0x80, v5, vm0, $0xb8;
	[tilespmem:$0x19280] =	vst v63  }
0x95: {  	s30 =	sor.u32 $0x2880, s28  }
0x96: {  	[tilespmem:s30], [sflag:s29] =	stream.indirect_vreg.gather [hbm4b:s1+s5], $0x80, v4, vm0, $0xb8;
	[tilespmem:$0x19280] =	vst v63  }
0x97: {  	v4 =	vld [tilespmem:s25+$0x20];
	_ =	sdelay $0x4  }
0x98: {  	v5 =	vshll.u32 v4, $0x1  }
0x99: {  	v4 =	vand.u32 $0x7, v4;
	v5 =	vand.u32 $0xFFFFFFF0, v5  }
0x9a: {  	v4 =	vor.u32 v4, v5  }
0x9b: {  	v5 =	vperm.xlane v4, v0;
	_ =	sdelay $0x1  }
0x9c: {  	v4 =	vperm.xlane v4, v2;
	v5 =	vadd.s32 v1, v5;
	_ =	sdelay $0x1  }
0x9d: {  	v4 =	vadd.s32 v1, v4;
	_ =	sdelay $0x1  }
0x9e: {  	s31 =	sor.u32 $0x3080, s28  }
0x9f: {  	[tilespmem:s31], [sflag:s29] =	stream.indirect_vreg.gather [hbm4b:s1+s5], $0x80, v5, vm0, $0xb8;
	[tilespmem:$0x19280] =	vst v63  }
0xa0: {  	s0 =	sor.u32 $0x3880, s28  }
0xa1: {  	[tilespmem:s0], [sflag:s29] =	stream.indirect_vreg.gather [hbm4b:s1+s5], $0x80, v4, vm0, $0xb8;
	[tilespmem:$0x19280] =	vst v63  }
0xa2: {  	v4 =	vld [tilespmem:s25+$0x30];
	_ =	sdelay $0x4  }
0xa3: {  	v5 =	vshll.u32 v4, $0x1  }
0xa4: {  	v4 =	vand.u32 $0x7, v4;
	v5 =	vand.u32 $0xFFFFFFF0, v5  }
0xa5: {  	v4 =	vor.u32 v4, v5  }
0xa6: {  	v5 =	vperm.xlane v4, v0;
	_ =	sdelay $0x1  }
0xa7: {  	v4 =	vperm.xlane v4, v2;
	v5 =	vadd.s32 v1, v5;
	_ =	sdelay $0x1  }
0xa8: {  	v4 =	vadd.s32 v1, v4;
	_ =	sdelay $0x1  }
0xa9: {  	s30 =	sor.u32 $0x4080, s28  }
0xaa: {  	[tilespmem:s30], [sflag:s29] =	stream.indirect_vreg.gather [hbm4b:s1+s5], $0x80, v5, vm0, $0xb8;
	[tilespmem:$0x19280] =	vst v63  }
0xab: {  	s31 =	sor.u32 $0x4880, s28  }
0xac: {  	[tilespmem:s31], [sflag:s29] =	stream.indirect_vreg.gather [hbm4b:s1+s5], $0x80, v4, vm0, $0xb8;
	[tilespmem:$0x19280] =	vst v63  }
0xad: {  	v4 =	vld [tilespmem:s25+$0x40];
	_ =	sdelay $0x4  }
0xae: {  	v5 =	vshll.u32 v4, $0x1  }
0xaf: {  	v4 =	vand.u32 $0x7, v4;
	v5 =	vand.u32 $0xFFFFFFF0, v5  }
0xb0: {  	v4 =	vor.u32 v4, v5  }
0xb1: {  	v5 =	vperm.xlane v4, v0;
	_ =	sdelay $0x1  }
0xb2: {  	v4 =	vperm.xlane v4, v2;
	v5 =	vadd.s32 v1, v5;
	_ =	sdelay $0x1  }
0xb3: {  	v4 =	vadd.s32 v1, v4;
	_ =	sdelay $0x1  }
0xb4: {  	s0 =	sor.u32 $0x5080, s28  }
0xb5: {  	[tilespmem:s0], [sflag:s29] =	stream.indirect_vreg.gather [hbm4b:s1+s5], $0x80, v5, vm0, $0xb8;
	[tilespmem:$0x19280] =	vst v63  }
0xb6: {  	s30 =	sor.u32 $0x5880, s28  }
0xb7: {  	[tilespmem:s30], [sflag:s29] =	stream.indirect_vreg.gather [hbm4b:s1+s5], $0x80, v4, vm0, $0xb8;
	[tilespmem:$0x19280] =	vst v63  }
0xb8: {  	v4 =	vld [tilespmem:s25+$0x50];
	_ =	sdelay $0x4  }
0xb9: {  	v5 =	vshll.u32 v4, $0x1  }
0xba: {  	v4 =	vand.u32 $0x7, v4;
	v5 =	vand.u32 $0xFFFFFFF0, v5  }
0xbb: {  	v4 =	vor.u32 v4, v5  }
0xbc: {  	v5 =	vperm.xlane v4, v0;
	_ =	sdelay $0x1  }
0xbd: {  	v4 =	vperm.xlane v4, v2;
	v5 =	vadd.s32 v1, v5;
	_ =	sdelay $0x1  }
0xbe: {  	v4 =	vadd.s32 v1, v4;
	_ =	sdelay $0x1  }
0xbf: {  	s31 =	sor.u32 $0x6080, s28  }
0xc0: {  	[tilespmem:s31], [sflag:s29] =	stream.indirect_vreg.gather [hbm4b:s1+s5], $0x80, v5, vm0, $0xb8;
	[tilespmem:$0x19280] =	vst v63  }
0xc1: {  	s0 =	sor.u32 $0x6880, s28  }
0xc2: {  	[tilespmem:s0], [sflag:s29] =	stream.indirect_vreg.gather [hbm4b:s1+s5], $0x80, v4, vm0, $0xb8;
	[tilespmem:$0x19280] =	vst v63  }
0xc3: {  	v4 =	vld [tilespmem:s25+$0x60];
	_ =	sdelay $0x4  }
0xc4: {  	v5 =	vshll.u32 v4, $0x1  }
0xc5: {  	v4 =	vand.u32 $0x7, v4;
	v5 =	vand.u32 $0xFFFFFFF0, v5  }
0xc6: {  	v4 =	vor.u32 v4, v5  }
0xc7: {  	v5 =	vperm.xlane v4, v0;
	_ =	sdelay $0x1  }
0xc8: {  	v4 =	vperm.xlane v4, v2;
	v5 =	vadd.s32 v1, v5;
	_ =	sdelay $0x1  }
0xc9: {  	v4 =	vadd.s32 v1, v4;
	_ =	sdelay $0x1  }
0xca: {  	s30 =	sor.u32 $0x7080, s28  }
0xcb: {  	[tilespmem:s30], [sflag:s29] =	stream.indirect_vreg.gather [hbm4b:s1+s5], $0x80, v5, vm0, $0xb8;
	[tilespmem:$0x19280] =	vst v63  }
0xcc: {  	s31 =	sor.u32 $0x7880, s28  }
0xcd: {  	[tilespmem:s31], [sflag:s29] =	stream.indirect_vreg.gather [hbm4b:s1+s5], $0x80, v4, vm0, $0xb8;
	[tilespmem:$0x19280] =	vst v63  }
0xce: {  	v4 =	vld [tilespmem:s25+$0x70];
	_ =	sdelay $0x4  }
0xcf: {  	v5 =	vshll.u32 v4, $0x1  }
0xd0: {  	v4 =	vand.u32 $0x7, v4;
	v5 =	vand.u32 $0xFFFFFFF0, v5  }
0xd1: {  	v4 =	vor.u32 v4, v5  }
0xd2: {  	v5 =	vperm.xlane v4, v0;
	_ =	sdelay $0x1  }
0xd3: {  	v4 =	vperm.xlane v4, v2;
	v5 =	vadd.s32 v1, v5;
	_ =	sdelay $0x1  }
0xd4: {  	v4 =	vadd.s32 v1, v4  }
0xd5: {  	s26 =	smov.u32 @p0 s24  }
0xd6: {  	s0 =	sadd.s32 $0x8080, s28;
	s31 =	sshll.u32 s26, $0x7  }
0xd7: {  	[tilespmem:s0], [sflag:s29] =	stream.indirect_vreg.gather [hbm4b:s1+s5], $0x80, v5, vm0, $0xb8;
	[tilespmem:$0x19280] =	vst v63  }
0xd8: {  	s30 =	sadd.s32 $0x8880, s28;
	s3 =	sand.u32 $0x3FFFFF80, s31  }
0xd9: {  	[tilespmem:s30], [sflag:s29] =	stream.indirect_vreg.gather [hbm4b:s1+s5], $0x80, v4, vm0, $0xb8;
	[tilespmem:$0x19280] =	vst v63  }
0xda: {  	s26 =	sadd.s32 $0x3, s26;
	s3 =	sadd.s32 $0x11080, s3  }
0xdb: {  	[tilespmem:s3], [sflag:s26] =	stream.indirect.gather [hbm4b:s2+s13], $0x1, s25, s13, $0xb8;
	[tilespmem:$0x19280] =	vst v63  }
0xdc: {  	s25 =	smov.u32 s24  }
.LBB2_4:
0xdd: {  	s3 =	sand.u32 $0x1, s23  }
0xde: {  	s28 =	simm.s32 $0x0;
	s26 =	sadd.s32 $0x1, s3  }
0xdf: {  	v5 =	vmov s28;
	_ =	swait.ge [sflag:s26], $0x8000  }
0xe0: {  	s24 =	sand.u32 $0x3, s23;
	s29 =	sshll.u32 s3, $0xF;
	v6 =	vshll.u32 v5, $0x8;
	[sflag:s26] =	ssyncset.done $0x0  }
0xe1: {  	s0 =	sadd.s32 $0x3, s24;
	v4 =	vadd.s32 s29, v3;
	v5 =	vshll.u32 v5, $0x7;
	v6 =	vand.u32 $0x7800, v6;
	[sflag:s26] =	ssyncadd.s32 $0xFFFF8000  }
0xe2: {  	v5 =	vand.u32 $0x380, v5;
	v6 =	vadd.s32 v6, v4;
	_ =	swait.ge [sflag:s0], $0x80  }
0xe3: {  	p0 =	slt.u32 s23, $0x2;
	v5 =	vor.u32 v5, v6;
	[sflag:s0] =	ssyncset.done $0x0  }
0xe4: {  	s26 =	sadd.s32 @!p0 $0x7, s3;
	[sflag:s0] =	ssyncadd.s32 $0xFFFFFF80  }
0xe5: {  	s30 =	simm.s32 $0x1;
	_ =	swait.ge @!p0 [sflag:s26], $0x800  }
0xe6: {  	s29 =	sshll.u32 s23, $0xE;
	v6 =	vmov s30;
	[sflag:s26] =	ssyncset.done @!p0 $0x0  }
0xe7: {  	v7 =	vshll.u32 v6, $0x8;
	[sflag:s26] =	ssyncadd.s32 @!p0 $0xFFFFF800;
	s26 =	sadd.s32 s29, s12  }
0xe8: {  	v6 =	vshll.u32 v6, $0x7;
	v7 =	vand.u32 $0x7800, v7;
	v5 =	vld.idx.msk [tilespmem:v5+s17+$0x0], $0xffff;
	s29 =	sadd.s32 $0x0, s26  }
0xe9: {  	v6 =	vand.u32 $0x380, v6;
	v7 =	vadd.s32 v7, v4;
	s29 =	sand.u32 $0xFFC00, s29  }
0xea: {  	s28 =	sand.u32 $0x380, s28;
	v8 =	vor.u32 v6, v7;
	s29 =	sor.u32 s10, s29  }
0xeb: {  	s30 =	sshll.u32 s3, $0xE;
	s28 =	sor.u32 s28, s29  }
0xec: {  	s0 =	simm.s32 $0x2;
	s29 =	sor.u32 $0x11280, s30;
	s30 =	sshrl.u32 s28, $0x3  }
0xed: {  	s28 =	sadd.s32 $0x7, s3;
	s30 =	sadd.s32 s6, s30;
	[tilespmem:s29+$0x0] =	vst v5;
	v5 =	vmov s0  }
0xee: {  	[hbm4b:s30+s5] =	stream.linear.scatter [tilespmem:s29], [sflag:s28], $0x80, $0x38;
	v6 =	vshll.u32 v5, $0x8;
	[tilespmem:$0x19280] =	vst v63  }
0xef: {  	s31 =	simm.s32 $0x3;
	s3 =	sadd.s32 $0x80, s26;
	s30 =	simm.s32 $0x80;
	v7 =	vshll.u32 v5, $0x7;
	v6 =	vand.u32 $0x7800, v6;
	v5 =	vld.idx.msk [tilespmem:v8+s17+$0x0], $0xffff  }
.LBB2_5:
0xf0: {  	p0 =	sne.s32 s31, $0x7F;
	v7 =	vand.u32 $0x380, v7;
	v6 =	vadd.s32 v6, v4;
	s3 =	sand.u32 $0xFFC00, s3  }
0xf1: {  	s0 =	sand.u32 $0x380, s30;
	v8 =	vor.u32 v7, v6;
	s3 =	sor.u32 s10, s3  }
.Ltmp1:
0xf2: {  	s0 =	sor.u32 s0, s3;
	(pc) =	sbr.rel @p0 .LBB2_5-.Ltmp1, $4  }
0xf3: {  	s0 =	sshrl.u32 s0, $0x3  }
0xf4: {  	s30 =	sadd.s32 $0x80, s30;
	s29 =	sadd.s32 $0x80, s29;
	v7 =	vmov s31;
	s0 =	sadd.s32 s6, s0  }
0xf5: {  	v6 =	vshll.u32 v7, $0x8;
	[tilespmem:s29+$0x0] =	vst v5;
	[hbm4b:s0+s5] =	stream.linear.scatter [tilespmem:s29], [sflag:s28], $0x80, $0x38  }
0xf6: {  	s31 =	sadd.s32 $0x1, s31;
	v7 =	vshll.u32 v7, $0x7;
	s3 =	sadd.s32 s30, s26;
	v6 =	vand.u32 $0x7800, v6;
	v5 =	vld.idx.msk [tilespmem:v8+s17+$0x0], $0xffff  }
0xf7: {  	v7 =	vand.u32 $0x380, v7;
	v4 =	vadd.s32 v6, v4;
	s0 =	sand.u32 $0xFFC00, s3  }
0xf8: {  	s31 =	sand.u32 $0x380, s30;
	v4 =	vor.u32 v7, v4;
	s0 =	sor.u32 s10, s0  }
0xf9: {  	s0 =	sor.u32 s31, s0  }
0xfa: {  	s3 =	sadd.s32 $0x80, s29;
	s0 =	sshrl.u32 s0, $0x3  }
0xfb: {  	s31 =	sadd.s32 $0x80, s30;
	s0 =	sadd.s32 s6, s0;
	[tilespmem:s3+$0x0] =	vst v5  }
0xfc: {  	[hbm4b:s0+s5] =	stream.linear.scatter [tilespmem:s3], [sflag:s28], $0x80, $0x38;
	[tilespmem:$0x19280] =	vst v63  }
0xfd: {  	s30 =	sadd.s32 s31, s26;
	v4 =	vld.idx.msk [tilespmem:v4+s17+$0x0], $0xffff  }
0xfe: {  	s0 =	sand.u32 $0xFFC00, s30  }
0xff: {  	s31 =	sand.u32 $0x380, s31;
	s0 =	sor.u32 s10, s0  }
0x100: {  	s0 =	sor.u32 s31, s0  }
0x101: {  	s3 =	sadd.s32 $0x80, s3;
	s0 =	sshrl.u32 s0, $0x3  }
0x102: {  	p0 =	slt.u32 s25, $0x20;
	s0 =	sadd.s32 s6, s0;
	[tilespmem:s3+$0x0] =	vst v4  }
0x103: {  	[hbm4b:s0+s5] =	stream.linear.scatter [tilespmem:s3], [sflag:s28], $0x80, $0x38;
	[tilespmem:$0x19280] =	vst v63  }
.Ltmp2:
0x104: {  	s29 =	sshll.u32 s23, $0xA;
	(pc) =	sbr.rel @p0 .LBB2_2-.Ltmp2, $4  }
0x105: {  	s0 =	sor.u32 s7, s29  }
0x106: {  	s23 =	smov.u32 s25;
	s30 =	sshll.u32 s24, $0x7;
	s0 =	sshrl.u32 s0, $0x3  }
0x107: {  	s31 =	sadd.s32 $0x9, s24;
	s3 =	sadd.s32 $0x11080, s30;
	s0 =	sadd.s32 s4, s0  }
0x108: {  	[hbm4b:s0+s5] =	stream.linear.scatter [tilespmem:s3], [sflag:s31], $0x80, $0x38;
	[tilespmem:$0x19280] =	vst v63  }
0x109: {  	_ =	swait.ge [sflag:s16], $0x800  }
0x10a: {  	[sflag:s16] =	ssyncset.done $0x0  }
0x10b: {  	[sflag:s16] =	ssyncadd.s32 $0xFFFFF800  }
0x10c: {  	_ =	swait.ge [sflag:s18], $0x800  }
0x10d: {  	[sflag:s18] =	ssyncset.done $0x0  }
0x10e: {  	[sflag:s18] =	ssyncadd.s32 $0xFFFFF800  }
0x10f: {  	_ =	swait.ge [sflag:s19], $0x80  }
0x110: {  	[sflag:s19] =	ssyncset.done $0x0  }
0x111: {  	s22 =	sadd.s32 $0x1, s22;
	[sflag:s19] =	ssyncadd.s32 $0xFFFFFF80  }
0x112: {  	p0 =	sne.s32 s22, s11;
	_ =	swait.ge [sflag:s20], $0x80  }
.Ltmp3:
0x113: {  	[sflag:s20] =	ssyncset.done $0x0;
	(pc) =	sbr.rel @p0 .LBB2_1-.Ltmp3, $4  }
0x114: {  	[sflag:s20] =	ssyncadd.s32 $0xFFFFFF80  }
0x115: {  	_ =	swait.ge [sflag:s21], $0x80  }
0x116: {  	[sflag:s21] =	ssyncset.done $0x0  }
0x117: {  	[sflag:s21] =	ssyncadd.s32 $0xFFFFFF80  }
0x118: {  	_ =	sfence.sel $0x180000  }
0x119: {  	[bflag:$0x0] =	sbarrier.arrive $0xFFFF  }
0x11a: {  	_ =	strace $0x90000047  }
0x11b: {  	s0 =	stileid.u32;
	[bflag:$0x2] =	sbarrier.arrive $0xFFFF  }
0x11c: {  	p0 =	sne.s32 s0, $0x0;
	s0 =	rddreg [dreg:$0x6]  }
0x11d: {  	s0 =	sadd.s32 @!p0 $0x100000, s0  }
0x11e: {  	[sflag:s0] =	ssyncadd.tile.s32 @!p0 $0x1;
	_ =	shalt  }
.Lfunc_end2:
_tile_overlayer_lowered:
.L_overlay_start_2:
0x11f: {  	(tag) =	ssettag $0x2  }
0x120: {  	s0 =	rddreg [dreg:$0x0];
	s2 =	stileid.u32  }
0x121: {  	s1 =	rddreg [dreg:$0x1];
	p0 =	sne.s32 s2, $0x0  }
0x122: {  	s3 =	rddreg [dreg:$0x2];
	[bflag:$0x3] =	sbarrier.arrive $0xFFFF;
	s2 =	simm.s32 @!p0 $0x1C0D  }
0x123: {  	[timem:s3], [sflag:s2] =	dma.local @!p0 [hbm:s0], s1  }
0x124: {  	s0 =	simm.s32 @!p0 $0xD  }
0x125: {  	_ =	swait.ge @!p0 [sflag:s0], s1  }
0x126: {  	s1 =	ssub.s32 @!p0 $0x0, s1;
	[sflag:s0] =	ssyncset.done @!p0 $0x0  }
0x127: {  	[sflag:s0] =	ssyncadd.s32 @!p0 s1  }
0x128: {  	[bflag:$0x3] =	sbarrier.arrive $0xFFFF  }
0x129: {  	_ =	shalt  }

</sc_bundles>
